<compile_context>
chip_gen: v7x
topology: tpu7x:2x2x1
jax: 0.10.2.dev20260603
libtpu: 0.0.44.dev20260713+nightly
codegen_flags: <defaults>
</compile_context>

<pallas_src>
import functools

import jax
import jax.numpy as jnp
from jax import lax
from jax.experimental import pallas as pl
from jax.experimental.pallas import tpu as pltpu
from jax.experimental.pallas import tpu_sc as plsc

N_NODES = 100000
D_FEAT = 512
NUM_SEGMENTS = 1024

NC = 2
NS = 16
NW = NC * NS
SEGS_PER_W = NUM_SEGMENTS // NW
R = 64
NBUF = 3
LAST_BASE = N_NODES - R
NSCAN = 8
SLICE = 12512
SLICE_LAST = N_NODES - (NSCAN - 1) * SLICE
LANES = 16
NWIN = SLICE // LANES
NPROBE = 10
SENTINEL = 2 * NUM_SEGMENTS
CPR = D_FEAT // LANES
NB = SEGS_PER_W + 1

_mesh = plsc.VectorSubcoreMesh(core_axis_name="c", subcore_axis_name="s")


@functools.partial(
    pl.kernel,
    out_type=jax.ShapeDtypeStruct((NUM_SEGMENTS, D_FEAT), jnp.float32),
    mesh=_mesh,
    compiler_params=pltpu.CompilerParams(needs_layout_passes=False),
    scratch_types=[
        pltpu.VMEM((R, D_FEAT), jnp.float32),
        pltpu.VMEM((R, D_FEAT), jnp.float32),
        pltpu.VMEM((R, D_FEAT), jnp.float32),
        pltpu.VMEM((SEGS_PER_W, D_FEAT), jnp.float32),
        pltpu.VMEM((SLICE,), jnp.int32),
        pltpu.VMEM((NB * LANES,), jnp.int32),
        pltpu.SemaphoreType.DMA,
        pltpu.SemaphoreType.DMA,
        pltpu.SemaphoreType.DMA,
    ],
)
def _sc_segment_sum(x_hbm, idx_hbm, out_hbm, x_v0, x_v1, x_v2, acc, sl_v,
                    b_v, sem0, sem1, sem2):
    c = lax.axis_index("c")
    s = lax.axis_index("s")
    w = c * NS + s

    t_lo = w * SEGS_PER_W
    lane = lax.iota(jnp.int32, LANES)
    zi = jnp.zeros((LANES,), jnp.int32)
    sent = jnp.full((LANES,), SENTINEL, jnp.int32)

    for m in range(NB):
        b_v[pl.ds(m * LANES, LANES)] = zi

    def scan_chunk(ci, carry):
        cbase = pl.multiple_of(ci * SLICE, 8)

        @pl.when(ci < NSCAN - 1)
        def _():
            pltpu.sync_copy(idx_hbm.at[pl.ds(cbase, SLICE)], sl_v)

        @pl.when(ci == NSCAN - 1)
        def _():
            pltpu.sync_copy(
                idx_hbm.at[pl.ds((NSCAN - 1) * SLICE, SLICE_LAST)],
                sl_v.at[pl.ds(0, SLICE_LAST)])
            for k in range(SLICE_LAST // LANES, SLICE // LANES):
                sl_v[pl.ds(k * LANES, LANES)] = sent

        n_valid = jnp.where(ci == NSCAN - 1, SLICE_LAST, SLICE)
        first = sl_v[pl.ds(0, LANES)][0]
        last_full = sl_v[pl.ds(SLICE - LANES, LANES)][LANES - 1]
        last_part = sl_v[pl.ds(SLICE_LAST - LANES, LANES)][LANES - 1]
        last = jnp.where(ci == NSCAN - 1, last_part, last_full)

        def bnd(m, carry2):
            t = t_lo + m
            simple = jnp.where(last < t, n_valid, 0)
            b_v[pl.ds(m * LANES, LANES)] = (
                b_v[pl.ds(m * LANES, LANES)] + jnp.full((LANES,), simple,
                                                        jnp.int32))

            @pl.when((first < t) & (t <= last))
            def _():
                one = jnp.ones((LANES,), jnp.int32)

                def cwin(k, cc):
                    v = sl_v[pl.ds(k * LANES, LANES)]
                    return cc + jnp.where(v < t, one, zi)

                cvec = lax.fori_loop(0, NWIN, cwin, zi)
                cnt = jnp.int32(0)
                for i in range(LANES):
                    cnt = cnt + cvec[i]
                b_v[pl.ds(m * LANES, LANES)] = (
                    b_v[pl.ds(m * LANES, LANES)] + jnp.full((LANES,), cnt,
                                                            jnp.int32))

            return carry2

        lax.fori_loop(0, NB, bnd, 0)
        return carry

    lax.fori_loop(0, NSCAN, scan_chunk, 0)

    lo = b_v[pl.ds(0, LANES)][0]
    hi = b_v[pl.ds(SEGS_PER_W * LANES, LANES)][0]

    zf = jnp.zeros((LANES,), jnp.float32)

    def zrow(i, carry):
        acc[i // CPR, pl.ds((i % CPR) * LANES, LANES)] = zf
        return carry

    lax.fori_loop(0, SEGS_PER_W * CPR, zrow, 0)

    def chunk_base(nxt):
        return pl.multiple_of(jnp.minimum(nxt & ~7, LAST_BASE), 8)

    del x_v1, x_v2, sem0, sem1, sem2

    def process(nxt, base, ce, buf):
        def seg(m, carry2):
            bm = b_v[pl.ds(m * LANES, LANES)][0]
            bm1 = b_v[pl.ds((m + 1) * LANES, LANES)][0]
            p = jnp.maximum(bm, nxt) - base
            q = jnp.minimum(bm1, ce) - base

            @pl.when(q > p)
            def _():
                def row(r, regs):
                    return tuple(
                        regs[g] + buf[r, pl.ds(g * LANES, LANES)]
                        for g in range(CPR))

                regs0 = (zf,) * CPR
                sums = lax.fori_loop(p, q, row, regs0)
                for g in range(CPR):
                    cur = acc[m, pl.ds(g * LANES, LANES)]
                    acc[m, pl.ds(g * LANES, LANES)] = cur + sums[g]

            return carry2

        lax.fori_loop(0, SEGS_PER_W, seg, 0)

    def body(j, carry):
        del j
        nxt = carry
        active = nxt < hi
        base = chunk_base(nxt)
        ce = jnp.minimum(base + R, hi)

        @pl.when(active)
        def _():
            pltpu.sync_copy(x_hbm.at[pl.ds(base, R)], x_v0)
            process(nxt, base, ce, x_v0)

        return jnp.where(active, ce, nxt)

    n_it = (hi - lo + R - 8) // (R - 7) + 1
    lax.fori_loop(0, n_it, body, lo)

    pltpu.sync_copy(acc, out_hbm.at[pl.ds(t_lo, SEGS_PER_W)])


@jax.jit
def kernel(x, molecule_idx):
    return _sc_segment_sum(x, molecule_idx.astype(jnp.int32))

# --- scband reference (transcript-rebuilt; emitter-appended) ---
"""Pipeline reference for scband-sum-pooling-34394098106850 (READ-ONLY COPY).

The authoritative reference and input builder live on the scoring server;
editing this copy changes nothing except your own understanding.
"""

import jax, jax.numpy as jnp
import numpy as np

N_NODES = 100000
D_FEAT = 512
NUM_SEGMENTS = 1024


def setup_inputs(seed: int = 0) -> dict:
    key = jax.random.key(seed)
    k1, k2 = jax.random.split(key)
    x = jax.random.normal(k1, (N_NODES, D_FEAT), dtype=jnp.float32)
    molecule_idx = jnp.sort(
        jax.random.randint(k2, (N_NODES,), 0, NUM_SEGMENTS, dtype=jnp.int32)
    )
    return {"x": x, "molecule_idx": molecule_idx}


def reference(x, molecule_idx):
    # global_add_pool: sum node features within each molecule (segment)
    out = jax.ops.segment_sum(x, molecule_idx, num_segments=NUM_SEGMENTS)
    return out

if __name__ == "__main__":
    import jax
    _d = setup_inputs()
    print(jax.jit(kernel)(*tuple(_d.values())))

</pallas_src>

<mosaic_0001>
#map = affine_map<(d0, d1) -> (0, 0)>
#map1 = affine_map<(d0, d1) -> (0)>
module attributes {stable_mosaic.version = 14 : i64} {
  func.func @_sc_segment_sum(%arg0: i32, %arg1: i32, %arg2: memref<100000x512xf32, #tpu.memory_space<hbm>>, %arg3: memref<100000xi32, #tpu.memory_space<hbm>>, %arg4: memref<1024x512xf32, #tpu.memory_space<hbm>>, %arg5: memref<64x512xf32, #tpu.memory_space<vmem>>, %arg6: memref<64x512xf32, #tpu.memory_space<vmem>>, %arg7: memref<64x512xf32, #tpu.memory_space<vmem>>, %arg8: memref<32x512xf32, #tpu.memory_space<vmem>>, %arg9: memref<12512xi32, #tpu.memory_space<vmem>>, %arg10: memref<528xi32, #tpu.memory_space<vmem>>, %arg11: memref<!tpu.dma_semaphore, #tpu.memory_space<semaphore_mem>>, %arg12: memref<!tpu.dma_semaphore, #tpu.memory_space<semaphore_mem>>, %arg13: memref<!tpu.dma_semaphore, #tpu.memory_space<semaphore_mem>>) attributes {dimension_semantics = [#tpu.dimension_semantics<core_parallel>, #tpu.dimension_semantics<subcore_parallel>], iteration_bounds = array<i64: 2, 16>, scalar_prefetch = 0 : i64, scratch_operands = 9 : i64, tpu.core_type = #tpu.core_type<sc_vector_subcore>, window_params = [{transform_indices = #map}, {transform_indices = #map1}, {transform_indices = #map}]} {
    %mul3A = arith.constant 16 : i32
    %mul3A_0 = arith.muli %arg0, %mul3A : i32
    %add3A = arith.addi %mul3A_0, %arg1 : i32
    %mul3A_1 = arith.constant 32 : i32
    %mul3A_2 = arith.muli %add3A, %mul3A_1 : i32
    %iota3A = tpu.iota {dimensions = array<i32: 0>} : vector<16xi32>
    %broadcast_in_dim3A = arith.constant 0 : i32
    %broadcast_in_dim3A_3 = vector.broadcast %broadcast_in_dim3A : i32 to vector<16xi32>
    %broadcast_in_dim3A_4 = arith.constant 2048 : i32
    %broadcast_in_dim3A_5 = vector.broadcast %broadcast_in_dim3A_4 : i32 to vector<16xi32>
    %swap3A = arith.constant 0 : index
    %swap3A_6 = tpu.vector_load %arg10[%swap3A] {strides = array<i32>} : memref<528xi32, #tpu.memory_space<vmem>>, vector<16xi32>,
    tpu.vector_store %arg10[%swap3A], %broadcast_in_dim3A_3 {strides = array<i32>} : memref<528xi32, #tpu.memory_space<vmem>>, vector<16xi32>,
    %swap3A_7 = arith.constant 16 : index
    %swap3A_8 = tpu.vector_load %arg10[%swap3A_7] {strides = array<i32>} : memref<528xi32, #tpu.memory_space<vmem>>, vector<16xi32>,
    tpu.vector_store %arg10[%swap3A_7], %broadcast_in_dim3A_3 {strides = array<i32>} : memref<528xi32, #tpu.memory_space<vmem>>, vector<16xi32>,
    %swap3A_9 = arith.constant 32 : index
    %swap3A_10 = tpu.vector_load %arg10[%swap3A_9] {strides = array<i32>} : memref<528xi32, #tpu.memory_space<vmem>>, vector<16xi32>,
    tpu.vector_store %arg10[%swap3A_9], %broadcast_in_dim3A_3 {strides = array<i32>} : memref<528xi32, #tpu.memory_space<vmem>>, vector<16xi32>,
    %swap3A_11 = arith.constant 48 : index
    %swap3A_12 = tpu.vector_load %arg10[%swap3A_11] {strides = array<i32>} : memref<528xi32, #tpu.memory_space<vmem>>, vector<16xi32>,
    tpu.vector_store %arg10[%swap3A_11], %broadcast_in_dim3A_3 {strides = array<i32>} : memref<528xi32, #tpu.memory_space<vmem>>, vector<16xi32>,
    %swap3A_13 = arith.constant 64 : index
    %swap3A_14 = tpu.vector_load %arg10[%swap3A_13] {strides = array<i32>} : memref<528xi32, #tpu.memory_space<vmem>>, vector<16xi32>,
    tpu.vector_store %arg10[%swap3A_13], %broadcast_in_dim3A_3 {strides = array<i32>} : memref<528xi32, #tpu.memory_space<vmem>>, vector<16xi32>,
    %swap3A_15 = arith.constant 80 : index
    %swap3A_16 = tpu.vector_load %arg10[%swap3A_15] {strides = array<i32>} : memref<528xi32, #tpu.memory_space<vmem>>, vector<16xi32>,
    tpu.vector_store %arg10[%swap3A_15], %broadcast_in_dim3A_3 {strides = array<i32>} : memref<528xi32, #tpu.memory_space<vmem>>, vector<16xi32>,
    %swap3A_17 = arith.constant 96 : index
    %swap3A_18 = tpu.vector_load %arg10[%swap3A_17] {strides = array<i32>} : memref<528xi32, #tpu.memory_space<vmem>>, vector<16xi32>,
    tpu.vector_store %arg10[%swap3A_17], %broadcast_in_dim3A_3 {strides = array<i32>} : memref<528xi32, #tpu.memory_space<vmem>>, vector<16xi32>,
    %swap3A_19 = arith.constant 112 : index
    %swap3A_20 = tpu.vector_load %arg10[%swap3A_19] {strides = array<i32>} : memref<528xi32, #tpu.memory_space<vmem>>, vector<16xi32>,
    tpu.vector_store %arg10[%swap3A_19], %broadcast_in_dim3A_3 {strides = array<i32>} : memref<528xi32, #tpu.memory_space<vmem>>, vector<16xi32>,
    %swap3A_21 = arith.constant 128 : index
    %swap3A_22 = tpu.vector_load %arg10[%swap3A_21] {strides = array<i32>} : memref<528xi32, #tpu.memory_space<vmem>>, vector<16xi32>,
    tpu.vector_store %arg10[%swap3A_21], %broadcast_in_dim3A_3 {strides = array<i32>} : memref<528xi32, #tpu.memory_space<vmem>>, vector<16xi32>,
    %swap3A_23 = arith.constant 144 : index
    %swap3A_24 = tpu.vector_load %arg10[%swap3A_23] {strides = array<i32>} : memref<528xi32, #tpu.memory_space<vmem>>, vector<16xi32>,
    tpu.vector_store %arg10[%swap3A_23], %broadcast_in_dim3A_3 {strides = array<i32>} : memref<528xi32, #tpu.memory_space<vmem>>, vector<16xi32>,
    %swap3A_25 = arith.constant 160 : index
    %swap3A_26 = tpu.vector_load %arg10[%swap3A_25] {strides = array<i32>} : memref<528xi32, #tpu.memory_space<vmem>>, vector<16xi32>,
    tpu.vector_store %arg10[%swap3A_25], %broadcast_in_dim3A_3 {strides = array<i32>} : memref<528xi32, #tpu.memory_space<vmem>>, vector<16xi32>,
    %swap3A_27 = arith.constant 176 : index
    %swap3A_28 = tpu.vector_load %arg10[%swap3A_27] {strides = array<i32>} : memref<528xi32, #tpu.memory_space<vmem>>, vector<16xi32>,
    tpu.vector_store %arg10[%swap3A_27], %broadcast_in_dim3A_3 {strides = array<i32>} : memref<528xi32, #tpu.memory_space<vmem>>, vector<16xi32>,
    %swap3A_29 = arith.constant 192 : index
    %swap3A_30 = tpu.vector_load %arg10[%swap3A_29] {strides = array<i32>} : memref<528xi32, #tpu.memory_space<vmem>>, vector<16xi32>,
    tpu.vector_store %arg10[%swap3A_29], %broadcast_in_dim3A_3 {strides = array<i32>} : memref<528xi32, #tpu.memory_space<vmem>>, vector<16xi32>,
    %swap3A_31 = arith.constant 208 : index
    %swap3A_32 = tpu.vector_load %arg10[%swap3A_31] {strides = array<i32>} : memref<528xi32, #tpu.memory_space<vmem>>, vector<16xi32>,
    tpu.vector_store %arg10[%swap3A_31], %broadcast_in_dim3A_3 {strides = array<i32>} : memref<528xi32, #tpu.memory_space<vmem>>, vector<16xi32>,
    %swap3A_33 = arith.constant 224 : index
    %swap3A_34 = tpu.vector_load %arg10[%swap3A_33] {strides = array<i32>} : memref<528xi32, #tpu.memory_space<vmem>>, vector<16xi32>,
    tpu.vector_store %arg10[%swap3A_33], %broadcast_in_dim3A_3 {strides = array<i32>} : memref<528xi32, #tpu.memory_space<vmem>>, vector<16xi32>,
    %swap3A_35 = arith.constant 240 : index
    %swap3A_36 = tpu.vector_load %arg10[%swap3A_35] {strides = array<i32>} : memref<528xi32, #tpu.memory_space<vmem>>, vector<16xi32>,
    tpu.vector_store %arg10[%swap3A_35], %broadcast_in_dim3A_3 {strides = array<i32>} : memref<528xi32, #tpu.memory_space<vmem>>, vector<16xi32>,
    %swap3A_37 = arith.constant 256 : index
    %swap3A_38 = tpu.vector_load %arg10[%swap3A_37] {strides = array<i32>} : memref<528xi32, #tpu.memory_space<vmem>>, vector<16xi32>,
    tpu.vector_store %arg10[%swap3A_37], %broadcast_in_dim3A_3 {strides = array<i32>} : memref<528xi32, #tpu.memory_space<vmem>>, vector<16xi32>,
    %swap3A_39 = arith.constant 272 : index
    %swap3A_40 = tpu.vector_load %arg10[%swap3A_39] {strides = array<i32>} : memref<528xi32, #tpu.memory_space<vmem>>, vector<16xi32>,
    tpu.vector_store %arg10[%swap3A_39], %broadcast_in_dim3A_3 {strides = array<i32>} : memref<528xi32, #tpu.memory_space<vmem>>, vector<16xi32>,
    %swap3A_41 = arith.constant 288 : index
    %swap3A_42 = tpu.vector_load %arg10[%swap3A_41] {strides = array<i32>} : memref<528xi32, #tpu.memory_space<vmem>>, vector<16xi32>,
    tpu.vector_store %arg10[%swap3A_41], %broadcast_in_dim3A_3 {strides = array<i32>} : memref<528xi32, #tpu.memory_space<vmem>>, vector<16xi32>,
    %swap3A_43 = arith.constant 304 : index
    %swap3A_44 = tpu.vector_load %arg10[%swap3A_43] {strides = array<i32>} : memref<528xi32, #tpu.memory_space<vmem>>, vector<16xi32>,
    tpu.vector_store %arg10[%swap3A_43], %broadcast_in_dim3A_3 {strides = array<i32>} : memref<528xi32, #tpu.memory_space<vmem>>, vector<16xi32>,
    %swap3A_45 = arith.constant 320 : index
    %swap3A_46 = tpu.vector_load %arg10[%swap3A_45] {strides = array<i32>} : memref<528xi32, #tpu.memory_space<vmem>>, vector<16xi32>,
    tpu.vector_store %arg10[%swap3A_45], %broadcast_in_dim3A_3 {strides = array<i32>} : memref<528xi32, #tpu.memory_space<vmem>>, vector<16xi32>,
    %swap3A_47 = arith.constant 336 : index
    %swap3A_48 = tpu.vector_load %arg10[%swap3A_47] {strides = array<i32>} : memref<528xi32, #tpu.memory_space<vmem>>, vector<16xi32>,
    tpu.vector_store %arg10[%swap3A_47], %broadcast_in_dim3A_3 {strides = array<i32>} : memref<528xi32, #tpu.memory_space<vmem>>, vector<16xi32>,
    %swap3A_49 = arith.constant 352 : index
    %swap3A_50 = tpu.vector_load %arg10[%swap3A_49] {strides = array<i32>} : memref<528xi32, #tpu.memory_space<vmem>>, vector<16xi32>,
    tpu.vector_store %arg10[%swap3A_49], %broadcast_in_dim3A_3 {strides = array<i32>} : memref<528xi32, #tpu.memory_space<vmem>>, vector<16xi32>,
    %swap3A_51 = arith.constant 368 : index
    %swap3A_52 = tpu.vector_load %arg10[%swap3A_51] {strides = array<i32>} : memref<528xi32, #tpu.memory_space<vmem>>, vector<16xi32>,
    tpu.vector_store %arg10[%swap3A_51], %broadcast_in_dim3A_3 {strides = array<i32>} : memref<528xi32, #tpu.memory_space<vmem>>, vector<16xi32>,
    %swap3A_53 = arith.constant 384 : index
    %swap3A_54 = tpu.vector_load %arg10[%swap3A_53] {strides = array<i32>} : memref<528xi32, #tpu.memory_space<vmem>>, vector<16xi32>,
    tpu.vector_store %arg10[%swap3A_53], %broadcast_in_dim3A_3 {strides = array<i32>} : memref<528xi32, #tpu.memory_space<vmem>>, vector<16xi32>,
    %swap3A_55 = arith.constant 400 : index
    %swap3A_56 = tpu.vector_load %arg10[%swap3A_55] {strides = array<i32>} : memref<528xi32, #tpu.memory_space<vmem>>, vector<16xi32>,
    tpu.vector_store %arg10[%swap3A_55], %broadcast_in_dim3A_3 {strides = array<i32>} : memref<528xi32, #tpu.memory_space<vmem>>, vector<16xi32>,
    %swap3A_57 = arith.constant 416 : index
    %swap3A_58 = tpu.vector_load %arg10[%swap3A_57] {strides = array<i32>} : memref<528xi32, #tpu.memory_space<vmem>>, vector<16xi32>,
    tpu.vector_store %arg10[%swap3A_57], %broadcast_in_dim3A_3 {strides = array<i32>} : memref<528xi32, #tpu.memory_space<vmem>>, vector<16xi32>,
    %swap3A_59 = arith.constant 432 : index
    %swap3A_60 = tpu.vector_load %arg10[%swap3A_59] {strides = array<i32>} : memref<528xi32, #tpu.memory_space<vmem>>, vector<16xi32>,
    tpu.vector_store %arg10[%swap3A_59], %broadcast_in_dim3A_3 {strides = array<i32>} : memref<528xi32, #tpu.memory_space<vmem>>, vector<16xi32>,
    %swap3A_61 = arith.constant 448 : index
    %swap3A_62 = tpu.vector_load %arg10[%swap3A_61] {strides = array<i32>} : memref<528xi32, #tpu.memory_space<vmem>>, vector<16xi32>,
    tpu.vector_store %arg10[%swap3A_61], %broadcast_in_dim3A_3 {strides = array<i32>} : memref<528xi32, #tpu.memory_space<vmem>>, vector<16xi32>,
    %swap3A_63 = arith.constant 464 : index
    %swap3A_64 = tpu.vector_load %arg10[%swap3A_63] {strides = array<i32>} : memref<528xi32, #tpu.memory_space<vmem>>, vector<16xi32>,
    tpu.vector_store %arg10[%swap3A_63], %broadcast_in_dim3A_3 {strides = array<i32>} : memref<528xi32, #tpu.memory_space<vmem>>, vector<16xi32>,
    %swap3A_65 = arith.constant 480 : index
    %swap3A_66 = tpu.vector_load %arg10[%swap3A_65] {strides = array<i32>} : memref<528xi32, #tpu.memory_space<vmem>>, vector<16xi32>,
    tpu.vector_store %arg10[%swap3A_65], %broadcast_in_dim3A_3 {strides = array<i32>} : memref<528xi32, #tpu.memory_space<vmem>>, vector<16xi32>,
    %swap3A_67 = arith.constant 496 : index
    %swap3A_68 = tpu.vector_load %arg10[%swap3A_67] {strides = array<i32>} : memref<528xi32, #tpu.memory_space<vmem>>, vector<16xi32>,
    tpu.vector_store %arg10[%swap3A_67], %broadcast_in_dim3A_3 {strides = array<i32>} : memref<528xi32, #tpu.memory_space<vmem>>, vector<16xi32>,
    %swap3A_69 = arith.constant 512 : index
    %swap3A_70 = tpu.vector_load %arg10[%swap3A_69] {strides = array<i32>} : memref<528xi32, #tpu.memory_space<vmem>>, vector<16xi32>,
    tpu.vector_store %arg10[%swap3A_69], %broadcast_in_dim3A_3 {strides = array<i32>} : memref<528xi32, #tpu.memory_space<vmem>>, vector<16xi32>,
    %scan3A = arith.constant 0 : i32
    %scan3A_71 = arith.constant 0 : i32
    %scan3A_72 = arith.constant 8 : i32
    %scan3A_73 = arith.addi %scan3A_71, %scan3A_72 : i32
    %scan3A_74 = arith.constant 1 : i32
    scf.for %scan3A_122 = %scan3A_71 to %scan3A_73 step %scan3A_74  : i32 {
      %mul3A_123 = arith.constant 12512 : i32
      %mul3A_124 = arith.muli %scan3A_122, %mul3A_123 : i32
      %multiple_of3A = tpu.assume_multiple %mul3A_124, 8 : i32
      %lt3A = arith.constant 7 : i32
      %lt3A_125 = arith.cmpi slt, %scan3A_122, %lt3A : i32
      %convert_element_type3A = arith.extui %lt3A_125 : i1 to i32
      %cond3A = arith.constant 0 : i32
      %cond3A_126 = arith.cmpi ne, %convert_element_type3A, %cond3A : i32
      scf.if %cond3A_126 {
        "tpu.region"() ({
          %run_scoped3A = tpu.sem_alloc : memref<!tpu.dma_semaphore, #tpu.memory_space<semaphore_mem>>
          %dma_start3A = tpu.memref_slice %arg3[%multiple_of3A] : memref<100000xi32, #tpu.memory_space<hbm>> -> memref<12512xi32, #tpu.memory_space<hbm>>
          %dma_start3A_157 = tpu.memref_slice %arg3[%multiple_of3A] : memref<100000xi32, #tpu.memory_space<hbm>> -> memref<12512xi32, #tpu.memory_space<hbm>>
          tpu.enqueue_dma source(%dma_start3A_157 : memref<12512xi32, #tpu.memory_space<hbm>>) target(%arg9 : memref<12512xi32, #tpu.memory_space<vmem>>) target_semaphore(%run_scoped3A : memref<!tpu.dma_semaphore, #tpu.memory_space<semaphore_mem>>)
          %dma_wait3A = tpu.memref_slice %arg3[%multiple_of3A] : memref<100000xi32, #tpu.memory_space<hbm>> -> memref<12512xi32, #tpu.memory_space<hbm>>
          %dma_wait3A_158 = tpu.memref_slice %arg3[%multiple_of3A] : memref<100000xi32, #tpu.memory_space<hbm>> -> memref<12512xi32, #tpu.memory_space<hbm>>
          tpu.wait_dma2 semaphore(%run_scoped3A : memref<!tpu.dma_semaphore, #tpu.memory_space<semaphore_mem>>) src(%dma_wait3A_158 : memref<12512xi32, #tpu.memory_space<hbm>>) dst(%arg9 : memref<12512xi32, #tpu.memory_space<vmem>>)
          tpu.yield
        }) : () -> ()
      } else {
      }
      %eq3A = arith.constant 7 : i32
      %eq3A_127 = arith.cmpi eq, %scan3A_122, %eq3A : i32
      %convert_element_type3A_128 = arith.extui %eq3A_127 : i1 to i32
      %cond3A_129 = arith.constant 0 : i32
      %cond3A_130 = arith.cmpi ne, %convert_element_type3A_128, %cond3A_129 : i32
      scf.if %cond3A_130 {
        "tpu.region"() ({
          %run_scoped3A = tpu.sem_alloc : memref<!tpu.dma_semaphore, #tpu.memory_space<semaphore_mem>>
          %dma_start3A = arith.constant 0 : i32
          %dma_start3A_169 = tpu.memref_slice %arg9[%dma_start3A] : memref<12512xi32, #tpu.memory_space<vmem>> -> memref<12416xi32, #tpu.memory_space<vmem>>
          %dma_start3A_170 = arith.constant 87584 : i32
          %dma_start3A_171 = tpu.memref_slice %arg3[%dma_start3A_170] : memref<100000xi32, #tpu.memory_space<hbm>> -> memref<12416xi32, #tpu.memory_space<hbm>>
          %dma_start3A_172 = arith.constant 0 : i32
          %dma_start3A_173 = tpu.memref_slice %arg9[%dma_start3A_172] : memref<12512xi32, #tpu.memory_space<vmem>> -> memref<12416xi32, #tpu.memory_space<vmem>>
          %dma_start3A_174 = arith.constant 87584 : i32
          %dma_start3A_175 = tpu.memref_slice %arg3[%dma_start3A_174] : memref<100000xi32, #tpu.memory_space<hbm>> -> memref<12416xi32, #tpu.memory_space<hbm>>
          tpu.enqueue_dma source(%dma_start3A_175 : memref<12416xi32, #tpu.memory_space<hbm>>) target(%dma_start3A_173 : memref<12416xi32, #tpu.memory_space<vmem>>) target_semaphore(%run_scoped3A : memref<!tpu.dma_semaphore, #tpu.memory_space<semaphore_mem>>)
          %dma_wait3A = arith.constant 0 : i32
          %dma_wait3A_176 = tpu.memref_slice %arg9[%dma_wait3A] : memref<12512xi32, #tpu.memory_space<vmem>> -> memref<12416xi32, #tpu.memory_space<vmem>>
          %dma_wait3A_177 = arith.constant 87584 : i32
          %dma_wait3A_178 = tpu.memref_slice %arg3[%dma_wait3A_177] : memref<100000xi32, #tpu.memory_space<hbm>> -> memref<12416xi32, #tpu.memory_space<hbm>>
          %dma_wait3A_179 = arith.constant 0 : i32
          %dma_wait3A_180 = tpu.memref_slice %arg9[%dma_wait3A_179] : memref<12512xi32, #tpu.memory_space<vmem>> -> memref<12416xi32, #tpu.memory_space<vmem>>
          %dma_wait3A_181 = arith.constant 87584 : i32
          %dma_wait3A_182 = tpu.memref_slice %arg3[%dma_wait3A_181] : memref<100000xi32, #tpu.memory_space<hbm>> -> memref<12416xi32, #tpu.memory_space<hbm>>
          tpu.wait_dma2 semaphore(%run_scoped3A : memref<!tpu.dma_semaphore, #tpu.memory_space<semaphore_mem>>) src(%dma_wait3A_182 : memref<12416xi32, #tpu.memory_space<hbm>>) dst(%dma_wait3A_180 : memref<12416xi32, #tpu.memory_space<vmem>>)
          tpu.yield
        }) : () -> ()
        %swap3A_157 = arith.constant 12416 : index
        %swap3A_158 = tpu.vector_load %arg9[%swap3A_157] {strides = array<i32>} : memref<12512xi32, #tpu.memory_space<vmem>>, vector<16xi32>,
        tpu.vector_store %arg9[%swap3A_157], %broadcast_in_dim3A_5 {strides = array<i32>} : memref<12512xi32, #tpu.memory_space<vmem>>, vector<16xi32>,
        %swap3A_159 = arith.constant 12432 : index
        %swap3A_160 = tpu.vector_load %arg9[%swap3A_159] {strides = array<i32>} : memref<12512xi32, #tpu.memory_space<vmem>>, vector<16xi32>,
        tpu.vector_store %arg9[%swap3A_159], %broadcast_in_dim3A_5 {strides = array<i32>} : memref<12512xi32, #tpu.memory_space<vmem>>, vector<16xi32>,
        %swap3A_161 = arith.constant 12448 : index
        %swap3A_162 = tpu.vector_load %arg9[%swap3A_161] {strides = array<i32>} : memref<12512xi32, #tpu.memory_space<vmem>>, vector<16xi32>,
        tpu.vector_store %arg9[%swap3A_161], %broadcast_in_dim3A_5 {strides = array<i32>} : memref<12512xi32, #tpu.memory_space<vmem>>, vector<16xi32>,
        %swap3A_163 = arith.constant 12464 : index
        %swap3A_164 = tpu.vector_load %arg9[%swap3A_163] {strides = array<i32>} : memref<12512xi32, #tpu.memory_space<vmem>>, vector<16xi32>,
        tpu.vector_store %arg9[%swap3A_163], %broadcast_in_dim3A_5 {strides = array<i32>} : memref<12512xi32, #tpu.memory_space<vmem>>, vector<16xi32>,
        %swap3A_165 = arith.constant 12480 : index
        %swap3A_166 = tpu.vector_load %arg9[%swap3A_165] {strides = array<i32>} : memref<12512xi32, #tpu.memory_space<vmem>>, vector<16xi32>,
        tpu.vector_store %arg9[%swap3A_165], %broadcast_in_dim3A_5 {strides = array<i32>} : memref<12512xi32, #tpu.memory_space<vmem>>, vector<16xi32>,
        %swap3A_167 = arith.constant 12496 : index
        %swap3A_168 = tpu.vector_load %arg9[%swap3A_167] {strides = array<i32>} : memref<12512xi32, #tpu.memory_space<vmem>>, vector<16xi32>,
        tpu.vector_store %arg9[%swap3A_167], %broadcast_in_dim3A_5 {strides = array<i32>} : memref<12512xi32, #tpu.memory_space<vmem>>, vector<16xi32>,
      } else {
      }
      %eq3A_131 = arith.constant 7 : i32
      %eq3A_132 = arith.cmpi eq, %scan3A_122, %eq3A_131 : i32
      %jit3A_133 = arith.constant 12416 : i32
      %jit3A_134 = arith.constant 12512 : i32
      %select_n3A_135 = arith.select %eq3A_132, %jit3A_133, %jit3A_134 : i32
      %get3A_136 = arith.constant 0 : index
      %get3A_137 = tpu.vector_load %arg9[%get3A_136] {strides = array<i32>} : memref<12512xi32, #tpu.memory_space<vmem>>, vector<16xi32>,
      %slice3A_138 = vector.extract_strided_slice %get3A_137 {offsets = [0], sizes = [1], strides = [1]} : vector<16xi32> to vector<1xi32>
      %squeeze3A_139 = vector.extract %slice3A_138[0] : i32 from vector<1xi32>
      %get3A_140 = arith.constant 12496 : index
      %get3A_141 = tpu.vector_load %arg9[%get3A_140] {strides = array<i32>} : memref<12512xi32, #tpu.memory_space<vmem>>, vector<16xi32>,
      %slice3A_142 = vector.extract_strided_slice %get3A_141 {offsets = [15], sizes = [1], strides = [1]} : vector<16xi32> to vector<1xi32>
      %squeeze3A_143 = vector.extract %slice3A_142[0] : i32 from vector<1xi32>
      %get3A_144 = arith.constant 12400 : index
      %get3A_145 = tpu.vector_load %arg9[%get3A_144] {strides = array<i32>} : memref<12512xi32, #tpu.memory_space<vmem>>, vector<16xi32>,
      %slice3A_146 = vector.extract_strided_slice %get3A_145 {offsets = [15], sizes = [1], strides = [1]} : vector<16xi32> to vector<1xi32>
      %squeeze3A_147 = vector.extract %slice3A_146[0] : i32 from vector<1xi32>
      %eq3A_148 = arith.constant 7 : i32
      %eq3A_149 = arith.cmpi eq, %scan3A_122, %eq3A_148 : i32
      %select_n3A_150 = arith.select %eq3A_149, %squeeze3A_147, %squeeze3A_143 : i32
      %scan3A_151 = arith.constant 0 : i32
      %scan3A_152 = arith.constant 0 : i32
      %scan3A_153 = arith.constant 33 : i32
      %scan3A_154 = arith.addi %scan3A_152, %scan3A_153 : i32
      %scan3A_155 = arith.constant 1 : i32
      scf.for %scan3A_157 = %scan3A_152 to %scan3A_154 step %scan3A_155  : i32 {
        %add3A_158 = arith.addi %mul3A_2, %scan3A_157 : i32
        %lt3A_159 = arith.cmpi slt, %select_n3A_150, %add3A_158 : i32
        %jit3A_160 = arith.constant 0 : i32
        %select_n3A_161 = arith.select %lt3A_159, %select_n3A_135, %jit3A_160 : i32
        %mul3A_162 = arith.constant 16 : i32
        %mul3A_163 = arith.muli %scan3A_157, %mul3A_162 : i32
        %get3A_164 = arith.index_cast %mul3A_163 : i32 to index
        %get3A_165 = tpu.vector_load %arg10[%get3A_164] {strides = array<i32>} : memref<528xi32, #tpu.memory_space<vmem>>, vector<16xi32>,
        %broadcast_in_dim3A_166 = vector.broadcast %select_n3A_161 : i32 to vector<16xi32>
        %add3A_167 = arith.addi %get3A_165, %broadcast_in_dim3A_166 : vector<16xi32>
        %mul3A_168 = arith.constant 16 : i32
        %mul3A_169 = arith.muli %scan3A_157, %mul3A_168 : i32
        %swap3A_170 = arith.index_cast %mul3A_169 : i32 to index
        %swap3A_171 = tpu.vector_load %arg10[%swap3A_170] {strides = array<i32>} : memref<528xi32, #tpu.memory_space<vmem>>, vector<16xi32>,
        tpu.vector_store %arg10[%swap3A_170], %add3A_167 {strides = array<i32>} : memref<528xi32, #tpu.memory_space<vmem>>, vector<16xi32>,
        %lt3A_172 = arith.cmpi slt, %squeeze3A_139, %add3A_158 : i32
        %le3A = arith.cmpi sle, %add3A_158, %select_n3A_150 : i32
        %and3A_173 = arith.andi %lt3A_172, %le3A : i1
        %convert_element_type3A_174 = arith.extui %and3A_173 : i1 to i32
        %cond3A_175 = arith.constant 0 : i32
        %cond3A_176 = arith.cmpi ne, %convert_element_type3A_174, %cond3A_175 : i32
        scf.if %cond3A_176 {
          %broadcast_in_dim3A_177 = arith.constant 1 : i32
          %broadcast_in_dim3A_178 = vector.broadcast %broadcast_in_dim3A_177 : i32 to vector<16xi32>
          %scan3A_179 = arith.constant 0 : i32
          %scan3A_180 = arith.constant 782 : i32
          %scan3A_181 = arith.addi %scan3A_179, %scan3A_180 : i32
          %scan3A_182 = arith.constant 1 : i32
          %scan3A_183 = scf.for %scan3A_244 = %scan3A_179 to %scan3A_181 step %scan3A_182 iter_args(%scan3A_245 = %broadcast_in_dim3A_3) -> (vector<16xi32>)  : i32 {
            %mul3A_246 = arith.constant 16 : i32
            %mul3A_247 = arith.muli %scan3A_244, %mul3A_246 : i32
            %get3A_248 = arith.index_cast %mul3A_247 : i32 to index
            %get3A_249 = tpu.vector_load %arg9[%get3A_248] {strides = array<i32>} : memref<12512xi32, #tpu.memory_space<vmem>>, vector<16xi32>,
            %lt3A_250 = vector.broadcast %add3A_158 : i32 to vector<16xi32>
            %lt3A_251 = arith.cmpi slt, %get3A_249, %lt3A_250 : vector<16xi32>
            %select_n3A_252 = arith.select %lt3A_251, %broadcast_in_dim3A_178, %broadcast_in_dim3A_3 : vector<16xi1>, vector<16xi32>
            %add3A_253 = arith.addi %scan3A_245, %select_n3A_252 : vector<16xi32>
            scf.yield %add3A_253 : vector<16xi32>
          }
          %scan3A_184 = arith.constant 782 : i32
          %slice3A_185 = vector.extract_strided_slice %scan3A_183 {offsets = [0], sizes = [1], strides = [1]} : vector<16xi32> to vector<1xi32>
          %squeeze3A_186 = vector.extract %slice3A_185[0] : i32 from vector<1xi32>
          %add3A_187 = arith.constant 0 : i32
          %add3A_188 = arith.addi %add3A_187, %squeeze3A_186 : i32
          %slice3A_189 = vector.extract_strided_slice %scan3A_183 {offsets = [1], sizes = [1], strides = [1]} : vector<16xi32> to vector<1xi32>
          %squeeze3A_190 = vector.extract %slice3A_189[0] : i32 from vector<1xi32>
          %add3A_191 = arith.addi %add3A_188, %squeeze3A_190 : i32
          %slice3A_192 = vector.extract_strided_slice %scan3A_183 {offsets = [2], sizes = [1], strides = [1]} : vector<16xi32> to vector<1xi32>
          %squeeze3A_193 = vector.extract %slice3A_192[0] : i32 from vector<1xi32>
          %add3A_194 = arith.addi %add3A_191, %squeeze3A_193 : i32
          %slice3A_195 = vector.extract_strided_slice %scan3A_183 {offsets = [3], sizes = [1], strides = [1]} : vector<16xi32> to vector<1xi32>
          %squeeze3A_196 = vector.extract %slice3A_195[0] : i32 from vector<1xi32>
          %add3A_197 = arith.addi %add3A_194, %squeeze3A_196 : i32
          %slice3A_198 = vector.extract_strided_slice %scan3A_183 {offsets = [4], sizes = [1], strides = [1]} : vector<16xi32> to vector<1xi32>
          %squeeze3A_199 = vector.extract %slice3A_198[0] : i32 from vector<1xi32>
          %add3A_200 = arith.addi %add3A_197, %squeeze3A_199 : i32
          %slice3A_201 = vector.extract_strided_slice %scan3A_183 {offsets = [5], sizes = [1], strides = [1]} : vector<16xi32> to vector<1xi32>
          %squeeze3A_202 = vector.extract %slice3A_201[0] : i32 from vector<1xi32>
          %add3A_203 = arith.addi %add3A_200, %squeeze3A_202 : i32
          %slice3A_204 = vector.extract_strided_slice %scan3A_183 {offsets = [6], sizes = [1], strides = [1]} : vector<16xi32> to vector<1xi32>
          %squeeze3A_205 = vector.extract %slice3A_204[0] : i32 from vector<1xi32>
          %add3A_206 = arith.addi %add3A_203, %squeeze3A_205 : i32
          %slice3A_207 = vector.extract_strided_slice %scan3A_183 {offsets = [7], sizes = [1], strides = [1]} : vector<16xi32> to vector<1xi32>
          %squeeze3A_208 = vector.extract %slice3A_207[0] : i32 from vector<1xi32>
          %add3A_209 = arith.addi %add3A_206, %squeeze3A_208 : i32
          %slice3A_210 = vector.extract_strided_slice %scan3A_183 {offsets = [8], sizes = [1], strides = [1]} : vector<16xi32> to vector<1xi32>
          %squeeze3A_211 = vector.extract %slice3A_210[0] : i32 from vector<1xi32>
          %add3A_212 = arith.addi %add3A_209, %squeeze3A_211 : i32
          %slice3A_213 = vector.extract_strided_slice %scan3A_183 {offsets = [9], sizes = [1], strides = [1]} : vector<16xi32> to vector<1xi32>
          %squeeze3A_214 = vector.extract %slice3A_213[0] : i32 from vector<1xi32>
          %add3A_215 = arith.addi %add3A_212, %squeeze3A_214 : i32
          %slice3A_216 = vector.extract_strided_slice %scan3A_183 {offsets = [10], sizes = [1], strides = [1]} : vector<16xi32> to vector<1xi32>
          %squeeze3A_217 = vector.extract %slice3A_216[0] : i32 from vector<1xi32>
          %add3A_218 = arith.addi %add3A_215, %squeeze3A_217 : i32
          %slice3A_219 = vector.extract_strided_slice %scan3A_183 {offsets = [11], sizes = [1], strides = [1]} : vector<16xi32> to vector<1xi32>
          %squeeze3A_220 = vector.extract %slice3A_219[0] : i32 from vector<1xi32>
          %add3A_221 = arith.addi %add3A_218, %squeeze3A_220 : i32
          %slice3A_222 = vector.extract_strided_slice %scan3A_183 {offsets = [12], sizes = [1], strides = [1]} : vector<16xi32> to vector<1xi32>
          %squeeze3A_223 = vector.extract %slice3A_222[0] : i32 from vector<1xi32>
          %add3A_224 = arith.addi %add3A_221, %squeeze3A_223 : i32
          %slice3A_225 = vector.extract_strided_slice %scan3A_183 {offsets = [13], sizes = [1], strides = [1]} : vector<16xi32> to vector<1xi32>
          %squeeze3A_226 = vector.extract %slice3A_225[0] : i32 from vector<1xi32>
          %add3A_227 = arith.addi %add3A_224, %squeeze3A_226 : i32
          %slice3A_228 = vector.extract_strided_slice %scan3A_183 {offsets = [14], sizes = [1], strides = [1]} : vector<16xi32> to vector<1xi32>
          %squeeze3A_229 = vector.extract %slice3A_228[0] : i32 from vector<1xi32>
          %add3A_230 = arith.addi %add3A_227, %squeeze3A_229 : i32
          %slice3A_231 = vector.extract_strided_slice %scan3A_183 {offsets = [15], sizes = [1], strides = [1]} : vector<16xi32> to vector<1xi32>
          %squeeze3A_232 = vector.extract %slice3A_231[0] : i32 from vector<1xi32>
          %add3A_233 = arith.addi %add3A_230, %squeeze3A_232 : i32
          %mul3A_234 = arith.constant 16 : i32
          %mul3A_235 = arith.muli %scan3A_157, %mul3A_234 : i32
          %get3A_236 = arith.index_cast %mul3A_235 : i32 to index
          %get3A_237 = tpu.vector_load %arg10[%get3A_236] {strides = array<i32>} : memref<528xi32, #tpu.memory_space<vmem>>, vector<16xi32>,
          %broadcast_in_dim3A_238 = vector.broadcast %add3A_233 : i32 to vector<16xi32>
          %add3A_239 = arith.addi %get3A_237, %broadcast_in_dim3A_238 : vector<16xi32>
          %mul3A_240 = arith.constant 16 : i32
          %mul3A_241 = arith.muli %scan3A_157, %mul3A_240 : i32
          %swap3A_242 = arith.index_cast %mul3A_241 : i32 to index
          %swap3A_243 = tpu.vector_load %arg10[%swap3A_242] {strides = array<i32>} : memref<528xi32, #tpu.memory_space<vmem>>, vector<16xi32>,
          tpu.vector_store %arg10[%swap3A_242], %add3A_239 {strides = array<i32>} : memref<528xi32, #tpu.memory_space<vmem>>, vector<16xi32>,
        } else {
        }
      }
      %scan3A_156 = arith.constant 33 : i32
    }
    %scan3A_75 = arith.constant 8 : i32
    %get3A = arith.constant 0 : index
    %get3A_76 = tpu.vector_load %arg10[%get3A] {strides = array<i32>} : memref<528xi32, #tpu.memory_space<vmem>>, vector<16xi32>,
    %slice3A = vector.extract_strided_slice %get3A_76 {offsets = [0], sizes = [1], strides = [1]} : vector<16xi32> to vector<1xi32>
    %squeeze3A = vector.extract %slice3A[0] : i32 from vector<1xi32>
    %get3A_77 = arith.constant 512 : index
    %get3A_78 = tpu.vector_load %arg10[%get3A_77] {strides = array<i32>} : memref<528xi32, #tpu.memory_space<vmem>>, vector<16xi32>,
    %slice3A_79 = vector.extract_strided_slice %get3A_78 {offsets = [0], sizes = [1], strides = [1]} : vector<16xi32> to vector<1xi32>
    %squeeze3A_80 = vector.extract %slice3A_79[0] : i32 from vector<1xi32>
    %broadcast_in_dim3A_81 = arith.constant 0.000000e+00 : f32
    %broadcast_in_dim3A_82 = vector.broadcast %broadcast_in_dim3A_81 : f32 to vector<16xf32>
    %scan3A_83 = arith.constant 0 : i32
    %scan3A_84 = arith.constant 0 : i32
    %scan3A_85 = arith.constant 1024 : i32
    %scan3A_86 = arith.addi %scan3A_84, %scan3A_85 : i32
    %scan3A_87 = arith.constant 1 : i32
    scf.for %scan3A_122 = %scan3A_84 to %scan3A_86 step %scan3A_87  : i32 {
      %jit3A_123 = arith.constant 32 : i32
      %div3A_124 = arith.divsi %scan3A_122, %jit3A_123 : i32
      %sign3A_125 = arith.constant 0 : i32
      %sign3A_126 = arith.cmpi sgt, %scan3A_122, %sign3A_125 : i32
      %sign3A_127 = arith.extui %sign3A_126 : i1 to i32
      %sign3A_128 = arith.constant 0 : i32
      %sign3A_129 = arith.cmpi slt, %scan3A_122, %sign3A_128 : i32
      %sign3A_130 = arith.extui %sign3A_129 : i1 to i32
      %sign3A_131 = arith.subi %sign3A_127, %sign3A_130 : i32
      %sign3A_132 = arith.constant 0 : i32
      %sign3A_133 = arith.cmpi sgt, %jit3A_123, %sign3A_132 : i32
      %sign3A_134 = arith.extui %sign3A_133 : i1 to i32
      %sign3A_135 = arith.constant 0 : i32
      %sign3A_136 = arith.cmpi slt, %jit3A_123, %sign3A_135 : i32
      %sign3A_137 = arith.extui %sign3A_136 : i1 to i32
      %sign3A_138 = arith.subi %sign3A_134, %sign3A_137 : i32
      %ne3A_139 = arith.cmpi ne, %sign3A_131, %sign3A_138 : i32
      %rem3A_140 = arith.remsi %scan3A_122, %jit3A_123 : i32
      %ne3A_141 = arith.constant 0 : i32
      %ne3A_142 = arith.cmpi ne, %rem3A_140, %ne3A_141 : i32
      %and3A_143 = arith.andi %ne3A_139, %ne3A_142 : i1
      %sub3A_144 = arith.constant 1 : i32
      %sub3A_145 = arith.subi %div3A_124, %sub3A_144 : i32
      %select_n3A_146 = arith.select %and3A_143, %sub3A_145, %div3A_124 : i32
      %jit3A_147 = arith.constant 32 : i32
      %eq3A = arith.constant 0 : i32
      %eq3A_148 = arith.cmpi eq, %jit3A_147, %eq3A : i32
      %jit3A_149 = arith.constant 1 : i32
      %select_n3A_150 = arith.select %eq3A_148, %jit3A_149, %jit3A_147 : i32
      %rem3A_151 = arith.remsi %scan3A_122, %select_n3A_150 : i32
      %ne3A_152 = arith.constant 0 : i32
      %ne3A_153 = arith.cmpi ne, %rem3A_151, %ne3A_152 : i32
      %lt3A = arith.constant 0 : i32
      %lt3A_154 = arith.cmpi slt, %rem3A_151, %lt3A : i32
      %lt3A_155 = arith.constant 0 : i32
      %lt3A_156 = arith.cmpi slt, %select_n3A_150, %lt3A_155 : i32
      %ne3A_157 = arith.xori %lt3A_154, %lt3A_156 : i1
      %and3A_158 = arith.andi %ne3A_157, %ne3A_153 : i1
      %add3A_159 = arith.addi %rem3A_151, %select_n3A_150 : i32
      %select_n3A_160 = arith.select %and3A_158, %add3A_159, %rem3A_151 : i32
      %mul3A_161 = arith.constant 16 : i32
      %mul3A_162 = arith.muli %select_n3A_160, %mul3A_161 : i32
      %swap3A_163 = arith.index_cast %select_n3A_146 : i32 to index
      %swap3A_164 = arith.index_cast %mul3A_162 : i32 to index
      %swap3A_165 = tpu.vector_load %arg8[%swap3A_163, %swap3A_164] {strides = array<i32>} : memref<32x512xf32, #tpu.memory_space<vmem>>, vector<16xf32>,
      tpu.vector_store %arg8[%swap3A_163, %swap3A_164], %broadcast_in_dim3A_82 {strides = array<i32>} : memref<32x512xf32, #tpu.memory_space<vmem>>, vector<16xf32>,
    }
    %scan3A_88 = arith.constant 1024 : i32
    %sub3A = arith.subi %squeeze3A_80, %squeeze3A : i32
    %add3A_89 = arith.constant 64 : i32
    %add3A_90 = arith.addi %sub3A, %add3A_89 : i32
    %sub3A_91 = arith.constant 8 : i32
    %sub3A_92 = arith.subi %add3A_90, %sub3A_91 : i32
    %jit3A = arith.constant 57 : i32
    %div3A = arith.divsi %sub3A_92, %jit3A : i32
    %sign3A = arith.constant 0 : i32
    %sign3A_93 = arith.cmpi sgt, %sub3A_92, %sign3A : i32
    %sign3A_94 = arith.extui %sign3A_93 : i1 to i32
    %sign3A_95 = arith.constant 0 : i32
    %sign3A_96 = arith.cmpi slt, %sub3A_92, %sign3A_95 : i32
    %sign3A_97 = arith.extui %sign3A_96 : i1 to i32
    %sign3A_98 = arith.subi %sign3A_94, %sign3A_97 : i32
    %sign3A_99 = arith.constant 0 : i32
    %sign3A_100 = arith.cmpi sgt, %jit3A, %sign3A_99 : i32
    %sign3A_101 = arith.extui %sign3A_100 : i1 to i32
    %sign3A_102 = arith.constant 0 : i32
    %sign3A_103 = arith.cmpi slt, %jit3A, %sign3A_102 : i32
    %sign3A_104 = arith.extui %sign3A_103 : i1 to i32
    %sign3A_105 = arith.subi %sign3A_101, %sign3A_104 : i32
    %ne3A = arith.cmpi ne, %sign3A_98, %sign3A_105 : i32
    %rem3A = arith.remsi %sub3A_92, %jit3A : i32
    %ne3A_106 = arith.constant 0 : i32
    %ne3A_107 = arith.cmpi ne, %rem3A, %ne3A_106 : i32
    %and3A = arith.andi %ne3A, %ne3A_107 : i1
    %sub3A_108 = arith.constant 1 : i32
    %sub3A_109 = arith.subi %div3A, %sub3A_108 : i32
    %select_n3A = arith.select %and3A, %sub3A_109, %div3A : i32
    %add3A_110 = arith.constant 1 : i32
    %add3A_111 = arith.addi %select_n3A, %add3A_110 : i32
    %while3A = arith.constant 0 : i32
    %while3A_112 = arith.subi %add3A_111, %while3A : i32
    %while3A_113 = arith.addi %while3A, %while3A_112 : i32
    %while3A_114 = arith.constant 1 : i32
    %while3A_115 = arith.divsi %while3A_112, %while3A_114 : i32
    %while3A_116 = arith.muli %while3A_115, %while3A_114 : i32
    %while3A_117 = arith.addi %while3A, %while3A_116 : i32
    %while3A_118 = arith.constant 1 : i32
    %while3A_119 = scf.for %while3A_122 = %while3A to %while3A_117 step %while3A_118 iter_args(%while3A_123 = %squeeze3A) -> (i32)  : i32 {
      %lt3A = arith.cmpi slt, %while3A_123, %squeeze3A_80 : i32
      %and3A_124 = arith.constant -8 : i32
      %and3A_125 = arith.andi %while3A_123, %and3A_124 : i32
      %min3A = arith.constant 99936 : i32
      %min3A_126 = arith.minsi %and3A_125, %min3A : i32
      %multiple_of3A = tpu.assume_multiple %min3A_126, 8 : i32
      %add3A_127 = arith.constant 64 : i32
      %add3A_128 = arith.addi %multiple_of3A, %add3A_127 : i32
      %min3A_129 = arith.minsi %add3A_128, %squeeze3A_80 : i32
      %convert_element_type3A = arith.extui %lt3A : i1 to i32
      %cond3A = arith.constant 0 : i32
      %cond3A_130 = arith.cmpi ne, %convert_element_type3A, %cond3A : i32
      scf.if %cond3A_130 {
        "tpu.region"() ({
          %run_scoped3A = tpu.sem_alloc : memref<!tpu.dma_semaphore, #tpu.memory_space<semaphore_mem>>
          %dma_start3A = arith.constant 0 : i32
          %dma_start3A_138 = tpu.memref_slice %arg2[%multiple_of3A, %dma_start3A] : memref<100000x512xf32, #tpu.memory_space<hbm>> -> memref<64x512xf32, #tpu.memory_space<hbm>>
          %dma_start3A_139 = arith.constant 0 : i32
          %dma_start3A_140 = tpu.memref_slice %arg2[%multiple_of3A, %dma_start3A_139] : memref<100000x512xf32, #tpu.memory_space<hbm>> -> memref<64x512xf32, #tpu.memory_space<hbm>>
          tpu.enqueue_dma source(%dma_start3A_140 : memref<64x512xf32, #tpu.memory_space<hbm>>) target(%arg5 : memref<64x512xf32, #tpu.memory_space<vmem>>) target_semaphore(%run_scoped3A : memref<!tpu.dma_semaphore, #tpu.memory_space<semaphore_mem>>)
          %dma_wait3A = arith.constant 0 : i32
          %dma_wait3A_141 = tpu.memref_slice %arg2[%multiple_of3A, %dma_wait3A] : memref<100000x512xf32, #tpu.memory_space<hbm>> -> memref<64x512xf32, #tpu.memory_space<hbm>>
          %dma_wait3A_142 = arith.constant 0 : i32
          %dma_wait3A_143 = tpu.memref_slice %arg2[%multiple_of3A, %dma_wait3A_142] : memref<100000x512xf32, #tpu.memory_space<hbm>> -> memref<64x512xf32, #tpu.memory_space<hbm>>
          tpu.wait_dma2 semaphore(%run_scoped3A : memref<!tpu.dma_semaphore, #tpu.memory_space<semaphore_mem>>) src(%dma_wait3A_143 : memref<64x512xf32, #tpu.memory_space<hbm>>) dst(%arg5 : memref<64x512xf32, #tpu.memory_space<vmem>>)
          tpu.yield
        }) : () -> ()
        %scan3A_132 = arith.constant 0 : i32
        %scan3A_133 = arith.constant 0 : i32
        %scan3A_134 = arith.constant 32 : i32
        %scan3A_135 = arith.addi %scan3A_133, %scan3A_134 : i32
        %scan3A_136 = arith.constant 1 : i32
        scf.for %scan3A_138 = %scan3A_133 to %scan3A_135 step %scan3A_136  : i32 {
          %mul3A_139 = arith.constant 16 : i32
          %mul3A_140 = arith.muli %scan3A_138, %mul3A_139 : i32
          %get3A_141 = arith.index_cast %mul3A_140 : i32 to index
          %get3A_142 = tpu.vector_load %arg10[%get3A_141] {strides = array<i32>} : memref<528xi32, #tpu.memory_space<vmem>>, vector<16xi32>,
          %slice3A_143 = vector.extract_strided_slice %get3A_142 {offsets = [0], sizes = [1], strides = [1]} : vector<16xi32> to vector<1xi32>
          %squeeze3A_144 = vector.extract %slice3A_143[0] : i32 from vector<1xi32>
          %add3A_145 = arith.constant 1 : i32
          %add3A_146 = arith.addi %scan3A_138, %add3A_145 : i32
          %mul3A_147 = arith.constant 16 : i32
          %mul3A_148 = arith.muli %add3A_146, %mul3A_147 : i32
          %get3A_149 = arith.index_cast %mul3A_148 : i32 to index
          %get3A_150 = tpu.vector_load %arg10[%get3A_149] {strides = array<i32>} : memref<528xi32, #tpu.memory_space<vmem>>, vector<16xi32>,
          %slice3A_151 = vector.extract_strided_slice %get3A_150 {offsets = [0], sizes = [1], strides = [1]} : vector<16xi32> to vector<1xi32>
          %squeeze3A_152 = vector.extract %slice3A_151[0] : i32 from vector<1xi32>
          %max3A = arith.maxsi %squeeze3A_144, %while3A_123 : i32
          %sub3A_153 = arith.subi %max3A, %multiple_of3A : i32
          %min3A_154 = arith.minsi %squeeze3A_152, %min3A_129 : i32
          %sub3A_155 = arith.subi %min3A_154, %multiple_of3A : i32
          %gt3A = arith.cmpi sgt, %sub3A_155, %sub3A_153 : i32
          %convert_element_type3A_156 = arith.extui %gt3A : i1 to i32
          %cond3A_157 = arith.constant 0 : i32
          %cond3A_158 = arith.cmpi ne, %convert_element_type3A_156, %cond3A_157 : i32
          scf.if %cond3A_158 {
            %while3A_159 = arith.subi %sub3A_155, %sub3A_153 : i32
            %while3A_160 = arith.addi %sub3A_153, %while3A_159 : i32
            %while3A_161 = arith.constant 1 : i32
            %while3A_162 = arith.divsi %while3A_159, %while3A_161 : i32
            %while3A_163 = arith.muli %while3A_162, %while3A_161 : i32
            %while3A_164 = arith.addi %sub3A_153, %while3A_163 : i32
            %while3A_165 = arith.constant 1 : i32
            %while3A_166:32 = scf.for %while3A_393 = %sub3A_153 to %while3A_164 step %while3A_165 iter_args(%while3A_394 = %broadcast_in_dim3A_82, %while3A_395 = %broadcast_in_dim3A_82, %while3A_396 = %broadcast_in_dim3A_82, %while3A_397 = %broadcast_in_dim3A_82, %while3A_398 = %broadcast_in_dim3A_82, %while3A_399 = %broadcast_in_dim3A_82, %while3A_400 = %broadcast_in_dim3A_82, %while3A_401 = %broadcast_in_dim3A_82, %while3A_402 = %broadcast_in_dim3A_82, %while3A_403 = %broadcast_in_dim3A_82, %while3A_404 = %broadcast_in_dim3A_82, %while3A_405 = %broadcast_in_dim3A_82, %while3A_406 = %broadcast_in_dim3A_82, %while3A_407 = %broadcast_in_dim3A_82, %while3A_408 = %broadcast_in_dim3A_82, %while3A_409 = %broadcast_in_dim3A_82, %while3A_410 = %broadcast_in_dim3A_82, %while3A_411 = %broadcast_in_dim3A_82, %while3A_412 = %broadcast_in_dim3A_82, %while3A_413 = %broadcast_in_dim3A_82, %while3A_414 = %broadcast_in_dim3A_82, %while3A_415 = %broadcast_in_dim3A_82, %while3A_416 = %broadcast_in_dim3A_82, %while3A_417 = %broadcast_in_dim3A_82, %while3A_418 = %broadcast_in_dim3A_82, %while3A_419 = %broadcast_in_dim3A_82, %while3A_420 = %broadcast_in_dim3A_82, %while3A_421 = %broadcast_in_dim3A_82, %while3A_422 = %broadcast_in_dim3A_82, %while3A_423 = %broadcast_in_dim3A_82, %while3A_424 = %broadcast_in_dim3A_82, %while3A_425 = %broadcast_in_dim3A_82) -> (vector<16xf32>, vector<16xf32>, vector<16xf32>, vector<16xf32>, vector<16xf32>, vector<16xf32>, vector<16xf32>, vector<16xf32>, vector<16xf32>, vector<16xf32>, vector<16xf32>, vector<16xf32>, vector<16xf32>, vector<16xf32>, vector<16xf32>, vector<16xf32>, vector<16xf32>, vector<16xf32>, vector<16xf32>, vector<16xf32>, vector<16xf32>, vector<16xf32>, vector<16xf32>, vector<16xf32>, vector<16xf32>, vector<16xf32>, vector<16xf32>, vector<16xf32>, vector<16xf32>, vector<16xf32>, vector<16xf32>, vector<16xf32>)  : i32 {
              %get3A_426 = arith.index_cast %while3A_393 : i32 to index
              %get3A_427 = arith.constant 0 : index
              %get3A_428 = tpu.vector_load %arg5[%get3A_426, %get3A_427] {strides = array<i32>} : memref<64x512xf32, #tpu.memory_space<vmem>>, vector<16xf32>,
              %add3A_429 = arith.addf %while3A_394, %get3A_428 : vector<16xf32>
              %get3A_430 = arith.index_cast %while3A_393 : i32 to index
              %get3A_431 = arith.constant 16 : index
              %get3A_432 = tpu.vector_load %arg5[%get3A_430, %get3A_431] {strides = array<i32>} : memref<64x512xf32, #tpu.memory_space<vmem>>, vector<16xf32>,
              %add3A_433 = arith.addf %while3A_395, %get3A_432 : vector<16xf32>
              %get3A_434 = arith.index_cast %while3A_393 : i32 to index
              %get3A_435 = arith.constant 32 : index
              %get3A_436 = tpu.vector_load %arg5[%get3A_434, %get3A_435] {strides = array<i32>} : memref<64x512xf32, #tpu.memory_space<vmem>>, vector<16xf32>,
              %add3A_437 = arith.addf %while3A_396, %get3A_436 : vector<16xf32>
              %get3A_438 = arith.index_cast %while3A_393 : i32 to index
              %get3A_439 = arith.constant 48 : index
              %get3A_440 = tpu.vector_load %arg5[%get3A_438, %get3A_439] {strides = array<i32>} : memref<64x512xf32, #tpu.memory_space<vmem>>, vector<16xf32>,
              %add3A_441 = arith.addf %while3A_397, %get3A_440 : vector<16xf32>
              %get3A_442 = arith.index_cast %while3A_393 : i32 to index
              %get3A_443 = arith.constant 64 : index
              %get3A_444 = tpu.vector_load %arg5[%get3A_442, %get3A_443] {strides = array<i32>} : memref<64x512xf32, #tpu.memory_space<vmem>>, vector<16xf32>,
              %add3A_445 = arith.addf %while3A_398, %get3A_444 : vector<16xf32>
              %get3A_446 = arith.index_cast %while3A_393 : i32 to index
              %get3A_447 = arith.constant 80 : index
              %get3A_448 = tpu.vector_load %arg5[%get3A_446, %get3A_447] {strides = array<i32>} : memref<64x512xf32, #tpu.memory_space<vmem>>, vector<16xf32>,
              %add3A_449 = arith.addf %while3A_399, %get3A_448 : vector<16xf32>
              %get3A_450 = arith.index_cast %while3A_393 : i32 to index
              %get3A_451 = arith.constant 96 : index
              %get3A_452 = tpu.vector_load %arg5[%get3A_450, %get3A_451] {strides = array<i32>} : memref<64x512xf32, #tpu.memory_space<vmem>>, vector<16xf32>,
              %add3A_453 = arith.addf %while3A_400, %get3A_452 : vector<16xf32>
              %get3A_454 = arith.index_cast %while3A_393 : i32 to index
              %get3A_455 = arith.constant 112 : index
              %get3A_456 = tpu.vector_load %arg5[%get3A_454, %get3A_455] {strides = array<i32>} : memref<64x512xf32, #tpu.memory_space<vmem>>, vector<16xf32>,
              %add3A_457 = arith.addf %while3A_401, %get3A_456 : vector<16xf32>
              %get3A_458 = arith.index_cast %while3A_393 : i32 to index
              %get3A_459 = arith.constant 128 : index
              %get3A_460 = tpu.vector_load %arg5[%get3A_458, %get3A_459] {strides = array<i32>} : memref<64x512xf32, #tpu.memory_space<vmem>>, vector<16xf32>,
              %add3A_461 = arith.addf %while3A_402, %get3A_460 : vector<16xf32>
              %get3A_462 = arith.index_cast %while3A_393 : i32 to index
              %get3A_463 = arith.constant 144 : index
              %get3A_464 = tpu.vector_load %arg5[%get3A_462, %get3A_463] {strides = array<i32>} : memref<64x512xf32, #tpu.memory_space<vmem>>, vector<16xf32>,
              %add3A_465 = arith.addf %while3A_403, %get3A_464 : vector<16xf32>
              %get3A_466 = arith.index_cast %while3A_393 : i32 to index
              %get3A_467 = arith.constant 160 : index
              %get3A_468 = tpu.vector_load %arg5[%get3A_466, %get3A_467] {strides = array<i32>} : memref<64x512xf32, #tpu.memory_space<vmem>>, vector<16xf32>,
              %add3A_469 = arith.addf %while3A_404, %get3A_468 : vector<16xf32>
              %get3A_470 = arith.index_cast %while3A_393 : i32 to index
              %get3A_471 = arith.constant 176 : index
              %get3A_472 = tpu.vector_load %arg5[%get3A_470, %get3A_471] {strides = array<i32>} : memref<64x512xf32, #tpu.memory_space<vmem>>, vector<16xf32>,
              %add3A_473 = arith.addf %while3A_405, %get3A_472 : vector<16xf32>
              %get3A_474 = arith.index_cast %while3A_393 : i32 to index
              %get3A_475 = arith.constant 192 : index
              %get3A_476 = tpu.vector_load %arg5[%get3A_474, %get3A_475] {strides = array<i32>} : memref<64x512xf32, #tpu.memory_space<vmem>>, vector<16xf32>,
              %add3A_477 = arith.addf %while3A_406, %get3A_476 : vector<16xf32>
              %get3A_478 = arith.index_cast %while3A_393 : i32 to index
              %get3A_479 = arith.constant 208 : index
              %get3A_480 = tpu.vector_load %arg5[%get3A_478, %get3A_479] {strides = array<i32>} : memref<64x512xf32, #tpu.memory_space<vmem>>, vector<16xf32>,
              %add3A_481 = arith.addf %while3A_407, %get3A_480 : vector<16xf32>
              %get3A_482 = arith.index_cast %while3A_393 : i32 to index
              %get3A_483 = arith.constant 224 : index
              %get3A_484 = tpu.vector_load %arg5[%get3A_482, %get3A_483] {strides = array<i32>} : memref<64x512xf32, #tpu.memory_space<vmem>>, vector<16xf32>,
              %add3A_485 = arith.addf %while3A_408, %get3A_484 : vector<16xf32>
              %get3A_486 = arith.index_cast %while3A_393 : i32 to index
              %get3A_487 = arith.constant 240 : index
              %get3A_488 = tpu.vector_load %arg5[%get3A_486, %get3A_487] {strides = array<i32>} : memref<64x512xf32, #tpu.memory_space<vmem>>, vector<16xf32>,
              %add3A_489 = arith.addf %while3A_409, %get3A_488 : vector<16xf32>
              %get3A_490 = arith.index_cast %while3A_393 : i32 to index
              %get3A_491 = arith.constant 256 : index
              %get3A_492 = tpu.vector_load %arg5[%get3A_490, %get3A_491] {strides = array<i32>} : memref<64x512xf32, #tpu.memory_space<vmem>>, vector<16xf32>,
              %add3A_493 = arith.addf %while3A_410, %get3A_492 : vector<16xf32>
              %get3A_494 = arith.index_cast %while3A_393 : i32 to index
              %get3A_495 = arith.constant 272 : index
              %get3A_496 = tpu.vector_load %arg5[%get3A_494, %get3A_495] {strides = array<i32>} : memref<64x512xf32, #tpu.memory_space<vmem>>, vector<16xf32>,
              %add3A_497 = arith.addf %while3A_411, %get3A_496 : vector<16xf32>
              %get3A_498 = arith.index_cast %while3A_393 : i32 to index
              %get3A_499 = arith.constant 288 : index
              %get3A_500 = tpu.vector_load %arg5[%get3A_498, %get3A_499] {strides = array<i32>} : memref<64x512xf32, #tpu.memory_space<vmem>>, vector<16xf32>,
              %add3A_501 = arith.addf %while3A_412, %get3A_500 : vector<16xf32>
              %get3A_502 = arith.index_cast %while3A_393 : i32 to index
              %get3A_503 = arith.constant 304 : index
              %get3A_504 = tpu.vector_load %arg5[%get3A_502, %get3A_503] {strides = array<i32>} : memref<64x512xf32, #tpu.memory_space<vmem>>, vector<16xf32>,
              %add3A_505 = arith.addf %while3A_413, %get3A_504 : vector<16xf32>
              %get3A_506 = arith.index_cast %while3A_393 : i32 to index
              %get3A_507 = arith.constant 320 : index
              %get3A_508 = tpu.vector_load %arg5[%get3A_506, %get3A_507] {strides = array<i32>} : memref<64x512xf32, #tpu.memory_space<vmem>>, vector<16xf32>,
              %add3A_509 = arith.addf %while3A_414, %get3A_508 : vector<16xf32>
              %get3A_510 = arith.index_cast %while3A_393 : i32 to index
              %get3A_511 = arith.constant 336 : index
              %get3A_512 = tpu.vector_load %arg5[%get3A_510, %get3A_511] {strides = array<i32>} : memref<64x512xf32, #tpu.memory_space<vmem>>, vector<16xf32>,
              %add3A_513 = arith.addf %while3A_415, %get3A_512 : vector<16xf32>
              %get3A_514 = arith.index_cast %while3A_393 : i32 to index
              %get3A_515 = arith.constant 352 : index
              %get3A_516 = tpu.vector_load %arg5[%get3A_514, %get3A_515] {strides = array<i32>} : memref<64x512xf32, #tpu.memory_space<vmem>>, vector<16xf32>,
              %add3A_517 = arith.addf %while3A_416, %get3A_516 : vector<16xf32>
              %get3A_518 = arith.index_cast %while3A_393 : i32 to index
              %get3A_519 = arith.constant 368 : index
              %get3A_520 = tpu.vector_load %arg5[%get3A_518, %get3A_519] {strides = array<i32>} : memref<64x512xf32, #tpu.memory_space<vmem>>, vector<16xf32>,
              %add3A_521 = arith.addf %while3A_417, %get3A_520 : vector<16xf32>
              %get3A_522 = arith.index_cast %while3A_393 : i32 to index
              %get3A_523 = arith.constant 384 : index
              %get3A_524 = tpu.vector_load %arg5[%get3A_522, %get3A_523] {strides = array<i32>} : memref<64x512xf32, #tpu.memory_space<vmem>>, vector<16xf32>,
              %add3A_525 = arith.addf %while3A_418, %get3A_524 : vector<16xf32>
              %get3A_526 = arith.index_cast %while3A_393 : i32 to index
              %get3A_527 = arith.constant 400 : index
              %get3A_528 = tpu.vector_load %arg5[%get3A_526, %get3A_527] {strides = array<i32>} : memref<64x512xf32, #tpu.memory_space<vmem>>, vector<16xf32>,
              %add3A_529 = arith.addf %while3A_419, %get3A_528 : vector<16xf32>
              %get3A_530 = arith.index_cast %while3A_393 : i32 to index
              %get3A_531 = arith.constant 416 : index
              %get3A_532 = tpu.vector_load %arg5[%get3A_530, %get3A_531] {strides = array<i32>} : memref<64x512xf32, #tpu.memory_space<vmem>>, vector<16xf32>,
              %add3A_533 = arith.addf %while3A_420, %get3A_532 : vector<16xf32>
              %get3A_534 = arith.index_cast %while3A_393 : i32 to index
              %get3A_535 = arith.constant 432 : index
              %get3A_536 = tpu.vector_load %arg5[%get3A_534, %get3A_535] {strides = array<i32>} : memref<64x512xf32, #tpu.memory_space<vmem>>, vector<16xf32>,
              %add3A_537 = arith.addf %while3A_421, %get3A_536 : vector<16xf32>
              %get3A_538 = arith.index_cast %while3A_393 : i32 to index
              %get3A_539 = arith.constant 448 : index
              %get3A_540 = tpu.vector_load %arg5[%get3A_538, %get3A_539] {strides = array<i32>} : memref<64x512xf32, #tpu.memory_space<vmem>>, vector<16xf32>,
              %add3A_541 = arith.addf %while3A_422, %get3A_540 : vector<16xf32>
              %get3A_542 = arith.index_cast %while3A_393 : i32 to index
              %get3A_543 = arith.constant 464 : index
              %get3A_544 = tpu.vector_load %arg5[%get3A_542, %get3A_543] {strides = array<i32>} : memref<64x512xf32, #tpu.memory_space<vmem>>, vector<16xf32>,
              %add3A_545 = arith.addf %while3A_423, %get3A_544 : vector<16xf32>
              %get3A_546 = arith.index_cast %while3A_393 : i32 to index
              %get3A_547 = arith.constant 480 : index
              %get3A_548 = tpu.vector_load %arg5[%get3A_546, %get3A_547] {strides = array<i32>} : memref<64x512xf32, #tpu.memory_space<vmem>>, vector<16xf32>,
              %add3A_549 = arith.addf %while3A_424, %get3A_548 : vector<16xf32>
              %get3A_550 = arith.index_cast %while3A_393 : i32 to index
              %get3A_551 = arith.constant 496 : index
              %get3A_552 = tpu.vector_load %arg5[%get3A_550, %get3A_551] {strides = array<i32>} : memref<64x512xf32, #tpu.memory_space<vmem>>, vector<16xf32>,
              %add3A_553 = arith.addf %while3A_425, %get3A_552 : vector<16xf32>
              scf.yield %add3A_429, %add3A_433, %add3A_437, %add3A_441, %add3A_445, %add3A_449, %add3A_453, %add3A_457, %add3A_461, %add3A_465, %add3A_469, %add3A_473, %add3A_477, %add3A_481, %add3A_485, %add3A_489, %add3A_493, %add3A_497, %add3A_501, %add3A_505, %add3A_509, %add3A_513, %add3A_517, %add3A_521, %add3A_525, %add3A_529, %add3A_533, %add3A_537, %add3A_541, %add3A_545, %add3A_549, %add3A_553 : vector<16xf32>, vector<16xf32>, vector<16xf32>, vector<16xf32>, vector<16xf32>, vector<16xf32>, vector<16xf32>, vector<16xf32>, vector<16xf32>, vector<16xf32>, vector<16xf32>, vector<16xf32>, vector<16xf32>, vector<16xf32>, vector<16xf32>, vector<16xf32>, vector<16xf32>, vector<16xf32>, vector<16xf32>, vector<16xf32>, vector<16xf32>, vector<16xf32>, vector<16xf32>, vector<16xf32>, vector<16xf32>, vector<16xf32>, vector<16xf32>, vector<16xf32>, vector<16xf32>, vector<16xf32>, vector<16xf32>, vector<16xf32>
            }
            %while3A_167 = arith.constant 1 : i32
            %while3A_168:32 = scf.for %while3A_393 = %while3A_164 to %while3A_160 step %while3A_167 iter_args(%while3A_394 = %while3A_166#0, %while3A_395 = %while3A_166#1, %while3A_396 = %while3A_166#2, %while3A_397 = %while3A_166#3, %while3A_398 = %while3A_166#4, %while3A_399 = %while3A_166#5, %while3A_400 = %while3A_166#6, %while3A_401 = %while3A_166#7, %while3A_402 = %while3A_166#8, %while3A_403 = %while3A_166#9, %while3A_404 = %while3A_166#10, %while3A_405 = %while3A_166#11, %while3A_406 = %while3A_166#12, %while3A_407 = %while3A_166#13, %while3A_408 = %while3A_166#14, %while3A_409 = %while3A_166#15, %while3A_410 = %while3A_166#16, %while3A_411 = %while3A_166#17, %while3A_412 = %while3A_166#18, %while3A_413 = %while3A_166#19, %while3A_414 = %while3A_166#20, %while3A_415 = %while3A_166#21, %while3A_416 = %while3A_166#22, %while3A_417 = %while3A_166#23, %while3A_418 = %while3A_166#24, %while3A_419 = %while3A_166#25, %while3A_420 = %while3A_166#26, %while3A_421 = %while3A_166#27, %while3A_422 = %while3A_166#28, %while3A_423 = %while3A_166#29, %while3A_424 = %while3A_166#30, %while3A_425 = %while3A_166#31) -> (vector<16xf32>, vector<16xf32>, vector<16xf32>, vector<16xf32>, vector<16xf32>, vector<16xf32>, vector<16xf32>, vector<16xf32>, vector<16xf32>, vector<16xf32>, vector<16xf32>, vector<16xf32>, vector<16xf32>, vector<16xf32>, vector<16xf32>, vector<16xf32>, vector<16xf32>, vector<16xf32>, vector<16xf32>, vector<16xf32>, vector<16xf32>, vector<16xf32>, vector<16xf32>, vector<16xf32>, vector<16xf32>, vector<16xf32>, vector<16xf32>, vector<16xf32>, vector<16xf32>, vector<16xf32>, vector<16xf32>, vector<16xf32>)  : i32 {
              %get3A_426 = arith.index_cast %while3A_393 : i32 to index
              %get3A_427 = arith.constant 0 : index
              %get3A_428 = tpu.vector_load %arg5[%get3A_426, %get3A_427] {strides = array<i32>} : memref<64x512xf32, #tpu.memory_space<vmem>>, vector<16xf32>,
              %add3A_429 = arith.addf %while3A_394, %get3A_428 : vector<16xf32>
              %get3A_430 = arith.index_cast %while3A_393 : i32 to index
              %get3A_431 = arith.constant 16 : index
              %get3A_432 = tpu.vector_load %arg5[%get3A_430, %get3A_431] {strides = array<i32>} : memref<64x512xf32, #tpu.memory_space<vmem>>, vector<16xf32>,
              %add3A_433 = arith.addf %while3A_395, %get3A_432 : vector<16xf32>
              %get3A_434 = arith.index_cast %while3A_393 : i32 to index
              %get3A_435 = arith.constant 32 : index
              %get3A_436 = tpu.vector_load %arg5[%get3A_434, %get3A_435] {strides = array<i32>} : memref<64x512xf32, #tpu.memory_space<vmem>>, vector<16xf32>,
              %add3A_437 = arith.addf %while3A_396, %get3A_436 : vector<16xf32>
              %get3A_438 = arith.index_cast %while3A_393 : i32 to index
              %get3A_439 = arith.constant 48 : index
              %get3A_440 = tpu.vector_load %arg5[%get3A_438, %get3A_439] {strides = array<i32>} : memref<64x512xf32, #tpu.memory_space<vmem>>, vector<16xf32>,
              %add3A_441 = arith.addf %while3A_397, %get3A_440 : vector<16xf32>
              %get3A_442 = arith.index_cast %while3A_393 : i32 to index
              %get3A_443 = arith.constant 64 : index
              %get3A_444 = tpu.vector_load %arg5[%get3A_442, %get3A_443] {strides = array<i32>} : memref<64x512xf32, #tpu.memory_space<vmem>>, vector<16xf32>,
              %add3A_445 = arith.addf %while3A_398, %get3A_444 : vector<16xf32>
              %get3A_446 = arith.index_cast %while3A_393 : i32 to index
              %get3A_447 = arith.constant 80 : index
              %get3A_448 = tpu.vector_load %arg5[%get3A_446, %get3A_447] {strides = array<i32>} : memref<64x512xf32, #tpu.memory_space<vmem>>, vector<16xf32>,
              %add3A_449 = arith.addf %while3A_399, %get3A_448 : vector<16xf32>
              %get3A_450 = arith.index_cast %while3A_393 : i32 to index
              %get3A_451 = arith.constant 96 : index
              %get3A_452 = tpu.vector_load %arg5[%get3A_450, %get3A_451] {strides = array<i32>} : memref<64x512xf32, #tpu.memory_space<vmem>>, vector<16xf32>,
              %add3A_453 = arith.addf %while3A_400, %get3A_452 : vector<16xf32>
              %get3A_454 = arith.index_cast %while3A_393 : i32 to index
              %get3A_455 = arith.constant 112 : index
              %get3A_456 = tpu.vector_load %arg5[%get3A_454, %get3A_455] {strides = array<i32>} : memref<64x512xf32, #tpu.memory_space<vmem>>, vector<16xf32>,
              %add3A_457 = arith.addf %while3A_401, %get3A_456 : vector<16xf32>
              %get3A_458 = arith.index_cast %while3A_393 : i32 to index
              %get3A_459 = arith.constant 128 : index
              %get3A_460 = tpu.vector_load %arg5[%get3A_458, %get3A_459] {strides = array<i32>} : memref<64x512xf32, #tpu.memory_space<vmem>>, vector<16xf32>,
              %add3A_461 = arith.addf %while3A_402, %get3A_460 : vector<16xf32>
              %get3A_462 = arith.index_cast %while3A_393 : i32 to index
              %get3A_463 = arith.constant 144 : index
              %get3A_464 = tpu.vector_load %arg5[%get3A_462, %get3A_463] {strides = array<i32>} : memref<64x512xf32, #tpu.memory_space<vmem>>, vector<16xf32>,
              %add3A_465 = arith.addf %while3A_403, %get3A_464 : vector<16xf32>
              %get3A_466 = arith.index_cast %while3A_393 : i32 to index
              %get3A_467 = arith.constant 160 : index
              %get3A_468 = tpu.vector_load %arg5[%get3A_466, %get3A_467] {strides = array<i32>} : memref<64x512xf32, #tpu.memory_space<vmem>>, vector<16xf32>,
              %add3A_469 = arith.addf %while3A_404, %get3A_468 : vector<16xf32>
              %get3A_470 = arith.index_cast %while3A_393 : i32 to index
              %get3A_471 = arith.constant 176 : index
              %get3A_472 = tpu.vector_load %arg5[%get3A_470, %get3A_471] {strides = array<i32>} : memref<64x512xf32, #tpu.memory_space<vmem>>, vector<16xf32>,
              %add3A_473 = arith.addf %while3A_405, %get3A_472 : vector<16xf32>
              %get3A_474 = arith.index_cast %while3A_393 : i32 to index
              %get3A_475 = arith.constant 192 : index
              %get3A_476 = tpu.vector_load %arg5[%get3A_474, %get3A_475] {strides = array<i32>} : memref<64x512xf32, #tpu.memory_space<vmem>>, vector<16xf32>,
              %add3A_477 = arith.addf %while3A_406, %get3A_476 : vector<16xf32>
              %get3A_478 = arith.index_cast %while3A_393 : i32 to index
              %get3A_479 = arith.constant 208 : index
              %get3A_480 = tpu.vector_load %arg5[%get3A_478, %get3A_479] {strides = array<i32>} : memref<64x512xf32, #tpu.memory_space<vmem>>, vector<16xf32>,
              %add3A_481 = arith.addf %while3A_407, %get3A_480 : vector<16xf32>
              %get3A_482 = arith.index_cast %while3A_393 : i32 to index
              %get3A_483 = arith.constant 224 : index
              %get3A_484 = tpu.vector_load %arg5[%get3A_482, %get3A_483] {strides = array<i32>} : memref<64x512xf32, #tpu.memory_space<vmem>>, vector<16xf32>,
              %add3A_485 = arith.addf %while3A_408, %get3A_484 : vector<16xf32>
              %get3A_486 = arith.index_cast %while3A_393 : i32 to index
              %get3A_487 = arith.constant 240 : index
              %get3A_488 = tpu.vector_load %arg5[%get3A_486, %get3A_487] {strides = array<i32>} : memref<64x512xf32, #tpu.memory_space<vmem>>, vector<16xf32>,
              %add3A_489 = arith.addf %while3A_409, %get3A_488 : vector<16xf32>
              %get3A_490 = arith.index_cast %while3A_393 : i32 to index
              %get3A_491 = arith.constant 256 : index
              %get3A_492 = tpu.vector_load %arg5[%get3A_490, %get3A_491] {strides = array<i32>} : memref<64x512xf32, #tpu.memory_space<vmem>>, vector<16xf32>,
              %add3A_493 = arith.addf %while3A_410, %get3A_492 : vector<16xf32>
              %get3A_494 = arith.index_cast %while3A_393 : i32 to index
              %get3A_495 = arith.constant 272 : index
              %get3A_496 = tpu.vector_load %arg5[%get3A_494, %get3A_495] {strides = array<i32>} : memref<64x512xf32, #tpu.memory_space<vmem>>, vector<16xf32>,
              %add3A_497 = arith.addf %while3A_411, %get3A_496 : vector<16xf32>
              %get3A_498 = arith.index_cast %while3A_393 : i32 to index
              %get3A_499 = arith.constant 288 : index
              %get3A_500 = tpu.vector_load %arg5[%get3A_498, %get3A_499] {strides = array<i32>} : memref<64x512xf32, #tpu.memory_space<vmem>>, vector<16xf32>,
              %add3A_501 = arith.addf %while3A_412, %get3A_500 : vector<16xf32>
              %get3A_502 = arith.index_cast %while3A_393 : i32 to index
              %get3A_503 = arith.constant 304 : index
              %get3A_504 = tpu.vector_load %arg5[%get3A_502, %get3A_503] {strides = array<i32>} : memref<64x512xf32, #tpu.memory_space<vmem>>, vector<16xf32>,
              %add3A_505 = arith.addf %while3A_413, %get3A_504 : vector<16xf32>
              %get3A_506 = arith.index_cast %while3A_393 : i32 to index
              %get3A_507 = arith.constant 320 : index
              %get3A_508 = tpu.vector_load %arg5[%get3A_506, %get3A_507] {strides = array<i32>} : memref<64x512xf32, #tpu.memory_space<vmem>>, vector<16xf32>,
              %add3A_509 = arith.addf %while3A_414, %get3A_508 : vector<16xf32>
              %get3A_510 = arith.index_cast %while3A_393 : i32 to index
              %get3A_511 = arith.constant 336 : index
              %get3A_512 = tpu.vector_load %arg5[%get3A_510, %get3A_511] {strides = array<i32>} : memref<64x512xf32, #tpu.memory_space<vmem>>, vector<16xf32>,
              %add3A_513 = arith.addf %while3A_415, %get3A_512 : vector<16xf32>
              %get3A_514 = arith.index_cast %while3A_393 : i32 to index
              %get3A_515 = arith.constant 352 : index
              %get3A_516 = tpu.vector_load %arg5[%get3A_514, %get3A_515] {strides = array<i32>} : memref<64x512xf32, #tpu.memory_space<vmem>>, vector<16xf32>,
              %add3A_517 = arith.addf %while3A_416, %get3A_516 : vector<16xf32>
              %get3A_518 = arith.index_cast %while3A_393 : i32 to index
              %get3A_519 = arith.constant 368 : index
              %get3A_520 = tpu.vector_load %arg5[%get3A_518, %get3A_519] {strides = array<i32>} : memref<64x512xf32, #tpu.memory_space<vmem>>, vector<16xf32>,
              %add3A_521 = arith.addf %while3A_417, %get3A_520 : vector<16xf32>
              %get3A_522 = arith.index_cast %while3A_393 : i32 to index
              %get3A_523 = arith.constant 384 : index
              %get3A_524 = tpu.vector_load %arg5[%get3A_522, %get3A_523] {strides = array<i32>} : memref<64x512xf32, #tpu.memory_space<vmem>>, vector<16xf32>,
              %add3A_525 = arith.addf %while3A_418, %get3A_524 : vector<16xf32>
              %get3A_526 = arith.index_cast %while3A_393 : i32 to index
              %get3A_527 = arith.constant 400 : index
              %get3A_528 = tpu.vector_load %arg5[%get3A_526, %get3A_527] {strides = array<i32>} : memref<64x512xf32, #tpu.memory_space<vmem>>, vector<16xf32>,
              %add3A_529 = arith.addf %while3A_419, %get3A_528 : vector<16xf32>
              %get3A_530 = arith.index_cast %while3A_393 : i32 to index
              %get3A_531 = arith.constant 416 : index
              %get3A_532 = tpu.vector_load %arg5[%get3A_530, %get3A_531] {strides = array<i32>} : memref<64x512xf32, #tpu.memory_space<vmem>>, vector<16xf32>,
              %add3A_533 = arith.addf %while3A_420, %get3A_532 : vector<16xf32>
              %get3A_534 = arith.index_cast %while3A_393 : i32 to index
              %get3A_535 = arith.constant 432 : index
              %get3A_536 = tpu.vector_load %arg5[%get3A_534, %get3A_535] {strides = array<i32>} : memref<64x512xf32, #tpu.memory_space<vmem>>, vector<16xf32>,
              %add3A_537 = arith.addf %while3A_421, %get3A_536 : vector<16xf32>
              %get3A_538 = arith.index_cast %while3A_393 : i32 to index
              %get3A_539 = arith.constant 448 : index
              %get3A_540 = tpu.vector_load %arg5[%get3A_538, %get3A_539] {strides = array<i32>} : memref<64x512xf32, #tpu.memory_space<vmem>>, vector<16xf32>,
              %add3A_541 = arith.addf %while3A_422, %get3A_540 : vector<16xf32>
              %get3A_542 = arith.index_cast %while3A_393 : i32 to index
              %get3A_543 = arith.constant 464 : index
              %get3A_544 = tpu.vector_load %arg5[%get3A_542, %get3A_543] {strides = array<i32>} : memref<64x512xf32, #tpu.memory_space<vmem>>, vector<16xf32>,
              %add3A_545 = arith.addf %while3A_423, %get3A_544 : vector<16xf32>
              %get3A_546 = arith.index_cast %while3A_393 : i32 to index
              %get3A_547 = arith.constant 480 : index
              %get3A_548 = tpu.vector_load %arg5[%get3A_546, %get3A_547] {strides = array<i32>} : memref<64x512xf32, #tpu.memory_space<vmem>>, vector<16xf32>,
              %add3A_549 = arith.addf %while3A_424, %get3A_548 : vector<16xf32>
              %get3A_550 = arith.index_cast %while3A_393 : i32 to index
              %get3A_551 = arith.constant 496 : index
              %get3A_552 = tpu.vector_load %arg5[%get3A_550, %get3A_551] {strides = array<i32>} : memref<64x512xf32, #tpu.memory_space<vmem>>, vector<16xf32>,
              %add3A_553 = arith.addf %while3A_425, %get3A_552 : vector<16xf32>
              scf.yield %add3A_429, %add3A_433, %add3A_437, %add3A_441, %add3A_445, %add3A_449, %add3A_453, %add3A_457, %add3A_461, %add3A_465, %add3A_469, %add3A_473, %add3A_477, %add3A_481, %add3A_485, %add3A_489, %add3A_493, %add3A_497, %add3A_501, %add3A_505, %add3A_509, %add3A_513, %add3A_517, %add3A_521, %add3A_525, %add3A_529, %add3A_533, %add3A_537, %add3A_541, %add3A_545, %add3A_549, %add3A_553 : vector<16xf32>, vector<16xf32>, vector<16xf32>, vector<16xf32>, vector<16xf32>, vector<16xf32>, vector<16xf32>, vector<16xf32>, vector<16xf32>, vector<16xf32>, vector<16xf32>, vector<16xf32>, vector<16xf32>, vector<16xf32>, vector<16xf32>, vector<16xf32>, vector<16xf32>, vector<16xf32>, vector<16xf32>, vector<16xf32>, vector<16xf32>, vector<16xf32>, vector<16xf32>, vector<16xf32>, vector<16xf32>, vector<16xf32>, vector<16xf32>, vector<16xf32>, vector<16xf32>, vector<16xf32>, vector<16xf32>, vector<16xf32>
            }
            %get3A_169 = arith.index_cast %scan3A_138 : i32 to index
            %get3A_170 = arith.constant 0 : index
            %get3A_171 = tpu.vector_load %arg8[%get3A_169, %get3A_170] {strides = array<i32>} : memref<32x512xf32, #tpu.memory_space<vmem>>, vector<16xf32>,
            %add3A_172 = arith.addf %get3A_171, %while3A_168#0 : vector<16xf32>
            %swap3A_173 = arith.index_cast %scan3A_138 : i32 to index
            %swap3A_174 = arith.constant 0 : index
            %swap3A_175 = tpu.vector_load %arg8[%swap3A_173, %swap3A_174] {strides = array<i32>} : memref<32x512xf32, #tpu.memory_space<vmem>>, vector<16xf32>,
            tpu.vector_store %arg8[%swap3A_173, %swap3A_174], %add3A_172 {strides = array<i32>} : memref<32x512xf32, #tpu.memory_space<vmem>>, vector<16xf32>,
            %get3A_176 = arith.index_cast %scan3A_138 : i32 to index
            %get3A_177 = arith.constant 16 : index
            %get3A_178 = tpu.vector_load %arg8[%get3A_176, %get3A_177] {strides = array<i32>} : memref<32x512xf32, #tpu.memory_space<vmem>>, vector<16xf32>,
            %add3A_179 = arith.addf %get3A_178, %while3A_168#1 : vector<16xf32>
            %swap3A_180 = arith.index_cast %scan3A_138 : i32 to index
            %swap3A_181 = arith.constant 16 : index
            %swap3A_182 = tpu.vector_load %arg8[%swap3A_180, %swap3A_181] {strides = array<i32>} : memref<32x512xf32, #tpu.memory_space<vmem>>, vector<16xf32>,
            tpu.vector_store %arg8[%swap3A_180, %swap3A_181], %add3A_179 {strides = array<i32>} : memref<32x512xf32, #tpu.memory_space<vmem>>, vector<16xf32>,
            %get3A_183 = arith.index_cast %scan3A_138 : i32 to index
            %get3A_184 = arith.constant 32 : index
            %get3A_185 = tpu.vector_load %arg8[%get3A_183, %get3A_184] {strides = array<i32>} : memref<32x512xf32, #tpu.memory_space<vmem>>, vector<16xf32>,
            %add3A_186 = arith.addf %get3A_185, %while3A_168#2 : vector<16xf32>
            %swap3A_187 = arith.index_cast %scan3A_138 : i32 to index
            %swap3A_188 = arith.constant 32 : index
            %swap3A_189 = tpu.vector_load %arg8[%swap3A_187, %swap3A_188] {strides = array<i32>} : memref<32x512xf32, #tpu.memory_space<vmem>>, vector<16xf32>,
            tpu.vector_store %arg8[%swap3A_187, %swap3A_188], %add3A_186 {strides = array<i32>} : memref<32x512xf32, #tpu.memory_space<vmem>>, vector<16xf32>,
            %get3A_190 = arith.index_cast %scan3A_138 : i32 to index
            %get3A_191 = arith.constant 48 : index
            %get3A_192 = tpu.vector_load %arg8[%get3A_190, %get3A_191] {strides = array<i32>} : memref<32x512xf32, #tpu.memory_space<vmem>>, vector<16xf32>,
            %add3A_193 = arith.addf %get3A_192, %while3A_168#3 : vector<16xf32>
            %swap3A_194 = arith.index_cast %scan3A_138 : i32 to index
            %swap3A_195 = arith.constant 48 : index
            %swap3A_196 = tpu.vector_load %arg8[%swap3A_194, %swap3A_195] {strides = array<i32>} : memref<32x512xf32, #tpu.memory_space<vmem>>, vector<16xf32>,
            tpu.vector_store %arg8[%swap3A_194, %swap3A_195], %add3A_193 {strides = array<i32>} : memref<32x512xf32, #tpu.memory_space<vmem>>, vector<16xf32>,
            %get3A_197 = arith.index_cast %scan3A_138 : i32 to index
            %get3A_198 = arith.constant 64 : index
            %get3A_199 = tpu.vector_load %arg8[%get3A_197, %get3A_198] {strides = array<i32>} : memref<32x512xf32, #tpu.memory_space<vmem>>, vector<16xf32>,
            %add3A_200 = arith.addf %get3A_199, %while3A_168#4 : vector<16xf32>
            %swap3A_201 = arith.index_cast %scan3A_138 : i32 to index
            %swap3A_202 = arith.constant 64 : index
            %swap3A_203 = tpu.vector_load %arg8[%swap3A_201, %swap3A_202] {strides = array<i32>} : memref<32x512xf32, #tpu.memory_space<vmem>>, vector<16xf32>,
            tpu.vector_store %arg8[%swap3A_201, %swap3A_202], %add3A_200 {strides = array<i32>} : memref<32x512xf32, #tpu.memory_space<vmem>>, vector<16xf32>,
            %get3A_204 = arith.index_cast %scan3A_138 : i32 to index
            %get3A_205 = arith.constant 80 : index
            %get3A_206 = tpu.vector_load %arg8[%get3A_204, %get3A_205] {strides = array<i32>} : memref<32x512xf32, #tpu.memory_space<vmem>>, vector<16xf32>,
            %add3A_207 = arith.addf %get3A_206, %while3A_168#5 : vector<16xf32>
            %swap3A_208 = arith.index_cast %scan3A_138 : i32 to index
            %swap3A_209 = arith.constant 80 : index
            %swap3A_210 = tpu.vector_load %arg8[%swap3A_208, %swap3A_209] {strides = array<i32>} : memref<32x512xf32, #tpu.memory_space<vmem>>, vector<16xf32>,
            tpu.vector_store %arg8[%swap3A_208, %swap3A_209], %add3A_207 {strides = array<i32>} : memref<32x512xf32, #tpu.memory_space<vmem>>, vector<16xf32>,
            %get3A_211 = arith.index_cast %scan3A_138 : i32 to index
            %get3A_212 = arith.constant 96 : index
            %get3A_213 = tpu.vector_load %arg8[%get3A_211, %get3A_212] {strides = array<i32>} : memref<32x512xf32, #tpu.memory_space<vmem>>, vector<16xf32>,
            %add3A_214 = arith.addf %get3A_213, %while3A_168#6 : vector<16xf32>
            %swap3A_215 = arith.index_cast %scan3A_138 : i32 to index
            %swap3A_216 = arith.constant 96 : index
            %swap3A_217 = tpu.vector_load %arg8[%swap3A_215, %swap3A_216] {strides = array<i32>} : memref<32x512xf32, #tpu.memory_space<vmem>>, vector<16xf32>,
            tpu.vector_store %arg8[%swap3A_215, %swap3A_216], %add3A_214 {strides = array<i32>} : memref<32x512xf32, #tpu.memory_space<vmem>>, vector<16xf32>,
            %get3A_218 = arith.index_cast %scan3A_138 : i32 to index
            %get3A_219 = arith.constant 112 : index
            %get3A_220 = tpu.vector_load %arg8[%get3A_218, %get3A_219] {strides = array<i32>} : memref<32x512xf32, #tpu.memory_space<vmem>>, vector<16xf32>,
            %add3A_221 = arith.addf %get3A_220, %while3A_168#7 : vector<16xf32>
            %swap3A_222 = arith.index_cast %scan3A_138 : i32 to index
            %swap3A_223 = arith.constant 112 : index
            %swap3A_224 = tpu.vector_load %arg8[%swap3A_222, %swap3A_223] {strides = array<i32>} : memref<32x512xf32, #tpu.memory_space<vmem>>, vector<16xf32>,
            tpu.vector_store %arg8[%swap3A_222, %swap3A_223], %add3A_221 {strides = array<i32>} : memref<32x512xf32, #tpu.memory_space<vmem>>, vector<16xf32>,
            %get3A_225 = arith.index_cast %scan3A_138 : i32 to index
            %get3A_226 = arith.constant 128 : index
            %get3A_227 = tpu.vector_load %arg8[%get3A_225, %get3A_226] {strides = array<i32>} : memref<32x512xf32, #tpu.memory_space<vmem>>, vector<16xf32>,
            %add3A_228 = arith.addf %get3A_227, %while3A_168#8 : vector<16xf32>
            %swap3A_229 = arith.index_cast %scan3A_138 : i32 to index
            %swap3A_230 = arith.constant 128 : index
            %swap3A_231 = tpu.vector_load %arg8[%swap3A_229, %swap3A_230] {strides = array<i32>} : memref<32x512xf32, #tpu.memory_space<vmem>>, vector<16xf32>,
            tpu.vector_store %arg8[%swap3A_229, %swap3A_230], %add3A_228 {strides = array<i32>} : memref<32x512xf32, #tpu.memory_space<vmem>>, vector<16xf32>,
            %get3A_232 = arith.index_cast %scan3A_138 : i32 to index
            %get3A_233 = arith.constant 144 : index
            %get3A_234 = tpu.vector_load %arg8[%get3A_232, %get3A_233] {strides = array<i32>} : memref<32x512xf32, #tpu.memory_space<vmem>>, vector<16xf32>,
            %add3A_235 = arith.addf %get3A_234, %while3A_168#9 : vector<16xf32>
            %swap3A_236 = arith.index_cast %scan3A_138 : i32 to index
            %swap3A_237 = arith.constant 144 : index
            %swap3A_238 = tpu.vector_load %arg8[%swap3A_236, %swap3A_237] {strides = array<i32>} : memref<32x512xf32, #tpu.memory_space<vmem>>, vector<16xf32>,
            tpu.vector_store %arg8[%swap3A_236, %swap3A_237], %add3A_235 {strides = array<i32>} : memref<32x512xf32, #tpu.memory_space<vmem>>, vector<16xf32>,
            %get3A_239 = arith.index_cast %scan3A_138 : i32 to index
            %get3A_240 = arith.constant 160 : index
            %get3A_241 = tpu.vector_load %arg8[%get3A_239, %get3A_240] {strides = array<i32>} : memref<32x512xf32, #tpu.memory_space<vmem>>, vector<16xf32>,
            %add3A_242 = arith.addf %get3A_241, %while3A_168#10 : vector<16xf32>
            %swap3A_243 = arith.index_cast %scan3A_138 : i32 to index
            %swap3A_244 = arith.constant 160 : index
            %swap3A_245 = tpu.vector_load %arg8[%swap3A_243, %swap3A_244] {strides = array<i32>} : memref<32x512xf32, #tpu.memory_space<vmem>>, vector<16xf32>,
            tpu.vector_store %arg8[%swap3A_243, %swap3A_244], %add3A_242 {strides = array<i32>} : memref<32x512xf32, #tpu.memory_space<vmem>>, vector<16xf32>,
            %get3A_246 = arith.index_cast %scan3A_138 : i32 to index
            %get3A_247 = arith.constant 176 : index
            %get3A_248 = tpu.vector_load %arg8[%get3A_246, %get3A_247] {strides = array<i32>} : memref<32x512xf32, #tpu.memory_space<vmem>>, vector<16xf32>,
            %add3A_249 = arith.addf %get3A_248, %while3A_168#11 : vector<16xf32>
            %swap3A_250 = arith.index_cast %scan3A_138 : i32 to index
            %swap3A_251 = arith.constant 176 : index
            %swap3A_252 = tpu.vector_load %arg8[%swap3A_250, %swap3A_251] {strides = array<i32>} : memref<32x512xf32, #tpu.memory_space<vmem>>, vector<16xf32>,
            tpu.vector_store %arg8[%swap3A_250, %swap3A_251], %add3A_249 {strides = array<i32>} : memref<32x512xf32, #tpu.memory_space<vmem>>, vector<16xf32>,
            %get3A_253 = arith.index_cast %scan3A_138 : i32 to index
            %get3A_254 = arith.constant 192 : index
            %get3A_255 = tpu.vector_load %arg8[%get3A_253, %get3A_254] {strides = array<i32>} : memref<32x512xf32, #tpu.memory_space<vmem>>, vector<16xf32>,
            %add3A_256 = arith.addf %get3A_255, %while3A_168#12 : vector<16xf32>
            %swap3A_257 = arith.index_cast %scan3A_138 : i32 to index
            %swap3A_258 = arith.constant 192 : index
            %swap3A_259 = tpu.vector_load %arg8[%swap3A_257, %swap3A_258] {strides = array<i32>} : memref<32x512xf32, #tpu.memory_space<vmem>>, vector<16xf32>,
            tpu.vector_store %arg8[%swap3A_257, %swap3A_258], %add3A_256 {strides = array<i32>} : memref<32x512xf32, #tpu.memory_space<vmem>>, vector<16xf32>,
            %get3A_260 = arith.index_cast %scan3A_138 : i32 to index
            %get3A_261 = arith.constant 208 : index
            %get3A_262 = tpu.vector_load %arg8[%get3A_260, %get3A_261] {strides = array<i32>} : memref<32x512xf32, #tpu.memory_space<vmem>>, vector<16xf32>,
            %add3A_263 = arith.addf %get3A_262, %while3A_168#13 : vector<16xf32>
            %swap3A_264 = arith.index_cast %scan3A_138 : i32 to index
            %swap3A_265 = arith.constant 208 : index
            %swap3A_266 = tpu.vector_load %arg8[%swap3A_264, %swap3A_265] {strides = array<i32>} : memref<32x512xf32, #tpu.memory_space<vmem>>, vector<16xf32>,
            tpu.vector_store %arg8[%swap3A_264, %swap3A_265], %add3A_263 {strides = array<i32>} : memref<32x512xf32, #tpu.memory_space<vmem>>, vector<16xf32>,
            %get3A_267 = arith.index_cast %scan3A_138 : i32 to index
            %get3A_268 = arith.constant 224 : index
            %get3A_269 = tpu.vector_load %arg8[%get3A_267, %get3A_268] {strides = array<i32>} : memref<32x512xf32, #tpu.memory_space<vmem>>, vector<16xf32>,
            %add3A_270 = arith.addf %get3A_269, %while3A_168#14 : vector<16xf32>
            %swap3A_271 = arith.index_cast %scan3A_138 : i32 to index
            %swap3A_272 = arith.constant 224 : index
            %swap3A_273 = tpu.vector_load %arg8[%swap3A_271, %swap3A_272] {strides = array<i32>} : memref<32x512xf32, #tpu.memory_space<vmem>>, vector<16xf32>,
            tpu.vector_store %arg8[%swap3A_271, %swap3A_272], %add3A_270 {strides = array<i32>} : memref<32x512xf32, #tpu.memory_space<vmem>>, vector<16xf32>,
            %get3A_274 = arith.index_cast %scan3A_138 : i32 to index
            %get3A_275 = arith.constant 240 : index
            %get3A_276 = tpu.vector_load %arg8[%get3A_274, %get3A_275] {strides = array<i32>} : memref<32x512xf32, #tpu.memory_space<vmem>>, vector<16xf32>,
            %add3A_277 = arith.addf %get3A_276, %while3A_168#15 : vector<16xf32>
            %swap3A_278 = arith.index_cast %scan3A_138 : i32 to index
            %swap3A_279 = arith.constant 240 : index
            %swap3A_280 = tpu.vector_load %arg8[%swap3A_278, %swap3A_279] {strides = array<i32>} : memref<32x512xf32, #tpu.memory_space<vmem>>, vector<16xf32>,
            tpu.vector_store %arg8[%swap3A_278, %swap3A_279], %add3A_277 {strides = array<i32>} : memref<32x512xf32, #tpu.memory_space<vmem>>, vector<16xf32>,
            %get3A_281 = arith.index_cast %scan3A_138 : i32 to index
            %get3A_282 = arith.constant 256 : index
            %get3A_283 = tpu.vector_load %arg8[%get3A_281, %get3A_282] {strides = array<i32>} : memref<32x512xf32, #tpu.memory_space<vmem>>, vector<16xf32>,
            %add3A_284 = arith.addf %get3A_283, %while3A_168#16 : vector<16xf32>
            %swap3A_285 = arith.index_cast %scan3A_138 : i32 to index
            %swap3A_286 = arith.constant 256 : index
            %swap3A_287 = tpu.vector_load %arg8[%swap3A_285, %swap3A_286] {strides = array<i32>} : memref<32x512xf32, #tpu.memory_space<vmem>>, vector<16xf32>,
            tpu.vector_store %arg8[%swap3A_285, %swap3A_286], %add3A_284 {strides = array<i32>} : memref<32x512xf32, #tpu.memory_space<vmem>>, vector<16xf32>,
            %get3A_288 = arith.index_cast %scan3A_138 : i32 to index
            %get3A_289 = arith.constant 272 : index
            %get3A_290 = tpu.vector_load %arg8[%get3A_288, %get3A_289] {strides = array<i32>} : memref<32x512xf32, #tpu.memory_space<vmem>>, vector<16xf32>,
            %add3A_291 = arith.addf %get3A_290, %while3A_168#17 : vector<16xf32>
            %swap3A_292 = arith.index_cast %scan3A_138 : i32 to index
            %swap3A_293 = arith.constant 272 : index
            %swap3A_294 = tpu.vector_load %arg8[%swap3A_292, %swap3A_293] {strides = array<i32>} : memref<32x512xf32, #tpu.memory_space<vmem>>, vector<16xf32>,
            tpu.vector_store %arg8[%swap3A_292, %swap3A_293], %add3A_291 {strides = array<i32>} : memref<32x512xf32, #tpu.memory_space<vmem>>, vector<16xf32>,
            %get3A_295 = arith.index_cast %scan3A_138 : i32 to index
            %get3A_296 = arith.constant 288 : index
            %get3A_297 = tpu.vector_load %arg8[%get3A_295, %get3A_296] {strides = array<i32>} : memref<32x512xf32, #tpu.memory_space<vmem>>, vector<16xf32>,
            %add3A_298 = arith.addf %get3A_297, %while3A_168#18 : vector<16xf32>
            %swap3A_299 = arith.index_cast %scan3A_138 : i32 to index
            %swap3A_300 = arith.constant 288 : index
            %swap3A_301 = tpu.vector_load %arg8[%swap3A_299, %swap3A_300] {strides = array<i32>} : memref<32x512xf32, #tpu.memory_space<vmem>>, vector<16xf32>,
            tpu.vector_store %arg8[%swap3A_299, %swap3A_300], %add3A_298 {strides = array<i32>} : memref<32x512xf32, #tpu.memory_space<vmem>>, vector<16xf32>,
            %get3A_302 = arith.index_cast %scan3A_138 : i32 to index
            %get3A_303 = arith.constant 304 : index
            %get3A_304 = tpu.vector_load %arg8[%get3A_302, %get3A_303] {strides = array<i32>} : memref<32x512xf32, #tpu.memory_space<vmem>>, vector<16xf32>,
            %add3A_305 = arith.addf %get3A_304, %while3A_168#19 : vector<16xf32>
            %swap3A_306 = arith.index_cast %scan3A_138 : i32 to index
            %swap3A_307 = arith.constant 304 : index
            %swap3A_308 = tpu.vector_load %arg8[%swap3A_306, %swap3A_307] {strides = array<i32>} : memref<32x512xf32, #tpu.memory_space<vmem>>, vector<16xf32>,
            tpu.vector_store %arg8[%swap3A_306, %swap3A_307], %add3A_305 {strides = array<i32>} : memref<32x512xf32, #tpu.memory_space<vmem>>, vector<16xf32>,
            %get3A_309 = arith.index_cast %scan3A_138 : i32 to index
            %get3A_310 = arith.constant 320 : index
            %get3A_311 = tpu.vector_load %arg8[%get3A_309, %get3A_310] {strides = array<i32>} : memref<32x512xf32, #tpu.memory_space<vmem>>, vector<16xf32>,
            %add3A_312 = arith.addf %get3A_311, %while3A_168#20 : vector<16xf32>
            %swap3A_313 = arith.index_cast %scan3A_138 : i32 to index
            %swap3A_314 = arith.constant 320 : index
            %swap3A_315 = tpu.vector_load %arg8[%swap3A_313, %swap3A_314] {strides = array<i32>} : memref<32x512xf32, #tpu.memory_space<vmem>>, vector<16xf32>,
            tpu.vector_store %arg8[%swap3A_313, %swap3A_314], %add3A_312 {strides = array<i32>} : memref<32x512xf32, #tpu.memory_space<vmem>>, vector<16xf32>,
            %get3A_316 = arith.index_cast %scan3A_138 : i32 to index
            %get3A_317 = arith.constant 336 : index
            %get3A_318 = tpu.vector_load %arg8[%get3A_316, %get3A_317] {strides = array<i32>} : memref<32x512xf32, #tpu.memory_space<vmem>>, vector<16xf32>,
            %add3A_319 = arith.addf %get3A_318, %while3A_168#21 : vector<16xf32>
            %swap3A_320 = arith.index_cast %scan3A_138 : i32 to index
            %swap3A_321 = arith.constant 336 : index
            %swap3A_322 = tpu.vector_load %arg8[%swap3A_320, %swap3A_321] {strides = array<i32>} : memref<32x512xf32, #tpu.memory_space<vmem>>, vector<16xf32>,
            tpu.vector_store %arg8[%swap3A_320, %swap3A_321], %add3A_319 {strides = array<i32>} : memref<32x512xf32, #tpu.memory_space<vmem>>, vector<16xf32>,
            %get3A_323 = arith.index_cast %scan3A_138 : i32 to index
            %get3A_324 = arith.constant 352 : index
            %get3A_325 = tpu.vector_load %arg8[%get3A_323, %get3A_324] {strides = array<i32>} : memref<32x512xf32, #tpu.memory_space<vmem>>, vector<16xf32>,
            %add3A_326 = arith.addf %get3A_325, %while3A_168#22 : vector<16xf32>
            %swap3A_327 = arith.index_cast %scan3A_138 : i32 to index
            %swap3A_328 = arith.constant 352 : index
            %swap3A_329 = tpu.vector_load %arg8[%swap3A_327, %swap3A_328] {strides = array<i32>} : memref<32x512xf32, #tpu.memory_space<vmem>>, vector<16xf32>,
            tpu.vector_store %arg8[%swap3A_327, %swap3A_328], %add3A_326 {strides = array<i32>} : memref<32x512xf32, #tpu.memory_space<vmem>>, vector<16xf32>,
            %get3A_330 = arith.index_cast %scan3A_138 : i32 to index
            %get3A_331 = arith.constant 368 : index
            %get3A_332 = tpu.vector_load %arg8[%get3A_330, %get3A_331] {strides = array<i32>} : memref<32x512xf32, #tpu.memory_space<vmem>>, vector<16xf32>,
            %add3A_333 = arith.addf %get3A_332, %while3A_168#23 : vector<16xf32>
            %swap3A_334 = arith.index_cast %scan3A_138 : i32 to index
            %swap3A_335 = arith.constant 368 : index
            %swap3A_336 = tpu.vector_load %arg8[%swap3A_334, %swap3A_335] {strides = array<i32>} : memref<32x512xf32, #tpu.memory_space<vmem>>, vector<16xf32>,
            tpu.vector_store %arg8[%swap3A_334, %swap3A_335], %add3A_333 {strides = array<i32>} : memref<32x512xf32, #tpu.memory_space<vmem>>, vector<16xf32>,
            %get3A_337 = arith.index_cast %scan3A_138 : i32 to index
            %get3A_338 = arith.constant 384 : index
            %get3A_339 = tpu.vector_load %arg8[%get3A_337, %get3A_338] {strides = array<i32>} : memref<32x512xf32, #tpu.memory_space<vmem>>, vector<16xf32>,
            %add3A_340 = arith.addf %get3A_339, %while3A_168#24 : vector<16xf32>
            %swap3A_341 = arith.index_cast %scan3A_138 : i32 to index
            %swap3A_342 = arith.constant 384 : index
            %swap3A_343 = tpu.vector_load %arg8[%swap3A_341, %swap3A_342] {strides = array<i32>} : memref<32x512xf32, #tpu.memory_space<vmem>>, vector<16xf32>,
            tpu.vector_store %arg8[%swap3A_341, %swap3A_342], %add3A_340 {strides = array<i32>} : memref<32x512xf32, #tpu.memory_space<vmem>>, vector<16xf32>,
            %get3A_344 = arith.index_cast %scan3A_138 : i32 to index
            %get3A_345 = arith.constant 400 : index
            %get3A_346 = tpu.vector_load %arg8[%get3A_344, %get3A_345] {strides = array<i32>} : memref<32x512xf32, #tpu.memory_space<vmem>>, vector<16xf32>,
            %add3A_347 = arith.addf %get3A_346, %while3A_168#25 : vector<16xf32>
            %swap3A_348 = arith.index_cast %scan3A_138 : i32 to index
            %swap3A_349 = arith.constant 400 : index
            %swap3A_350 = tpu.vector_load %arg8[%swap3A_348, %swap3A_349] {strides = array<i32>} : memref<32x512xf32, #tpu.memory_space<vmem>>, vector<16xf32>,
            tpu.vector_store %arg8[%swap3A_348, %swap3A_349], %add3A_347 {strides = array<i32>} : memref<32x512xf32, #tpu.memory_space<vmem>>, vector<16xf32>,
            %get3A_351 = arith.index_cast %scan3A_138 : i32 to index
            %get3A_352 = arith.constant 416 : index
            %get3A_353 = tpu.vector_load %arg8[%get3A_351, %get3A_352] {strides = array<i32>} : memref<32x512xf32, #tpu.memory_space<vmem>>, vector<16xf32>,
            %add3A_354 = arith.addf %get3A_353, %while3A_168#26 : vector<16xf32>
            %swap3A_355 = arith.index_cast %scan3A_138 : i32 to index
            %swap3A_356 = arith.constant 416 : index
            %swap3A_357 = tpu.vector_load %arg8[%swap3A_355, %swap3A_356] {strides = array<i32>} : memref<32x512xf32, #tpu.memory_space<vmem>>, vector<16xf32>,
            tpu.vector_store %arg8[%swap3A_355, %swap3A_356], %add3A_354 {strides = array<i32>} : memref<32x512xf32, #tpu.memory_space<vmem>>, vector<16xf32>,
            %get3A_358 = arith.index_cast %scan3A_138 : i32 to index
            %get3A_359 = arith.constant 432 : index
            %get3A_360 = tpu.vector_load %arg8[%get3A_358, %get3A_359] {strides = array<i32>} : memref<32x512xf32, #tpu.memory_space<vmem>>, vector<16xf32>,
            %add3A_361 = arith.addf %get3A_360, %while3A_168#27 : vector<16xf32>
            %swap3A_362 = arith.index_cast %scan3A_138 : i32 to index
            %swap3A_363 = arith.constant 432 : index
            %swap3A_364 = tpu.vector_load %arg8[%swap3A_362, %swap3A_363] {strides = array<i32>} : memref<32x512xf32, #tpu.memory_space<vmem>>, vector<16xf32>,
            tpu.vector_store %arg8[%swap3A_362, %swap3A_363], %add3A_361 {strides = array<i32>} : memref<32x512xf32, #tpu.memory_space<vmem>>, vector<16xf32>,
            %get3A_365 = arith.index_cast %scan3A_138 : i32 to index
            %get3A_366 = arith.constant 448 : index
            %get3A_367 = tpu.vector_load %arg8[%get3A_365, %get3A_366] {strides = array<i32>} : memref<32x512xf32, #tpu.memory_space<vmem>>, vector<16xf32>,
            %add3A_368 = arith.addf %get3A_367, %while3A_168#28 : vector<16xf32>
            %swap3A_369 = arith.index_cast %scan3A_138 : i32 to index
            %swap3A_370 = arith.constant 448 : index
            %swap3A_371 = tpu.vector_load %arg8[%swap3A_369, %swap3A_370] {strides = array<i32>} : memref<32x512xf32, #tpu.memory_space<vmem>>, vector<16xf32>,
            tpu.vector_store %arg8[%swap3A_369, %swap3A_370], %add3A_368 {strides = array<i32>} : memref<32x512xf32, #tpu.memory_space<vmem>>, vector<16xf32>,
            %get3A_372 = arith.index_cast %scan3A_138 : i32 to index
            %get3A_373 = arith.constant 464 : index
            %get3A_374 = tpu.vector_load %arg8[%get3A_372, %get3A_373] {strides = array<i32>} : memref<32x512xf32, #tpu.memory_space<vmem>>, vector<16xf32>,
            %add3A_375 = arith.addf %get3A_374, %while3A_168#29 : vector<16xf32>
            %swap3A_376 = arith.index_cast %scan3A_138 : i32 to index
            %swap3A_377 = arith.constant 464 : index
            %swap3A_378 = tpu.vector_load %arg8[%swap3A_376, %swap3A_377] {strides = array<i32>} : memref<32x512xf32, #tpu.memory_space<vmem>>, vector<16xf32>,
            tpu.vector_store %arg8[%swap3A_376, %swap3A_377], %add3A_375 {strides = array<i32>} : memref<32x512xf32, #tpu.memory_space<vmem>>, vector<16xf32>,
            %get3A_379 = arith.index_cast %scan3A_138 : i32 to index
            %get3A_380 = arith.constant 480 : index
            %get3A_381 = tpu.vector_load %arg8[%get3A_379, %get3A_380] {strides = array<i32>} : memref<32x512xf32, #tpu.memory_space<vmem>>, vector<16xf32>,
            %add3A_382 = arith.addf %get3A_381, %while3A_168#30 : vector<16xf32>
            %swap3A_383 = arith.index_cast %scan3A_138 : i32 to index
            %swap3A_384 = arith.constant 480 : index
            %swap3A_385 = tpu.vector_load %arg8[%swap3A_383, %swap3A_384] {strides = array<i32>} : memref<32x512xf32, #tpu.memory_space<vmem>>, vector<16xf32>,
            tpu.vector_store %arg8[%swap3A_383, %swap3A_384], %add3A_382 {strides = array<i32>} : memref<32x512xf32, #tpu.memory_space<vmem>>, vector<16xf32>,
            %get3A_386 = arith.index_cast %scan3A_138 : i32 to index
            %get3A_387 = arith.constant 496 : index
            %get3A_388 = tpu.vector_load %arg8[%get3A_386, %get3A_387] {strides = array<i32>} : memref<32x512xf32, #tpu.memory_space<vmem>>, vector<16xf32>,
            %add3A_389 = arith.addf %get3A_388, %while3A_168#31 : vector<16xf32>
            %swap3A_390 = arith.index_cast %scan3A_138 : i32 to index
            %swap3A_391 = arith.constant 496 : index
            %swap3A_392 = tpu.vector_load %arg8[%swap3A_390, %swap3A_391] {strides = array<i32>} : memref<32x512xf32, #tpu.memory_space<vmem>>, vector<16xf32>,
            tpu.vector_store %arg8[%swap3A_390, %swap3A_391], %add3A_389 {strides = array<i32>} : memref<32x512xf32, #tpu.memory_space<vmem>>, vector<16xf32>,
          } else {
          }
        }
        %scan3A_137 = arith.constant 32 : i32
      } else {
      }
      %select_n3A_131 = arith.select %lt3A, %min3A_129, %while3A_123 : i32
      scf.yield %select_n3A_131 : i32
    }
    %while3A_120 = arith.constant 1 : i32
    %while3A_121 = scf.for %while3A_122 = %while3A_117 to %while3A_113 step %while3A_120 iter_args(%while3A_123 = %while3A_119) -> (i32)  : i32 {
      %lt3A = arith.cmpi slt, %while3A_123, %squeeze3A_80 : i32
      %and3A_124 = arith.constant -8 : i32
      %and3A_125 = arith.andi %while3A_123, %and3A_124 : i32
      %min3A = arith.constant 99936 : i32
      %min3A_126 = arith.minsi %and3A_125, %min3A : i32
      %multiple_of3A = tpu.assume_multiple %min3A_126, 8 : i32
      %add3A_127 = arith.constant 64 : i32
      %add3A_128 = arith.addi %multiple_of3A, %add3A_127 : i32
      %min3A_129 = arith.minsi %add3A_128, %squeeze3A_80 : i32
      %convert_element_type3A = arith.extui %lt3A : i1 to i32
      %cond3A = arith.constant 0 : i32
      %cond3A_130 = arith.cmpi ne, %convert_element_type3A, %cond3A : i32
      scf.if %cond3A_130 {
        "tpu.region"() ({
          %run_scoped3A = tpu.sem_alloc : memref<!tpu.dma_semaphore, #tpu.memory_space<semaphore_mem>>
          %dma_start3A = arith.constant 0 : i32
          %dma_start3A_138 = tpu.memref_slice %arg2[%multiple_of3A, %dma_start3A] : memref<100000x512xf32, #tpu.memory_space<hbm>> -> memref<64x512xf32, #tpu.memory_space<hbm>>
          %dma_start3A_139 = arith.constant 0 : i32
          %dma_start3A_140 = tpu.memref_slice %arg2[%multiple_of3A, %dma_start3A_139] : memref<100000x512xf32, #tpu.memory_space<hbm>> -> memref<64x512xf32, #tpu.memory_space<hbm>>
          tpu.enqueue_dma source(%dma_start3A_140 : memref<64x512xf32, #tpu.memory_space<hbm>>) target(%arg5 : memref<64x512xf32, #tpu.memory_space<vmem>>) target_semaphore(%run_scoped3A : memref<!tpu.dma_semaphore, #tpu.memory_space<semaphore_mem>>)
          %dma_wait3A = arith.constant 0 : i32
          %dma_wait3A_141 = tpu.memref_slice %arg2[%multiple_of3A, %dma_wait3A] : memref<100000x512xf32, #tpu.memory_space<hbm>> -> memref<64x512xf32, #tpu.memory_space<hbm>>
          %dma_wait3A_142 = arith.constant 0 : i32
          %dma_wait3A_143 = tpu.memref_slice %arg2[%multiple_of3A, %dma_wait3A_142] : memref<100000x512xf32, #tpu.memory_space<hbm>> -> memref<64x512xf32, #tpu.memory_space<hbm>>
          tpu.wait_dma2 semaphore(%run_scoped3A : memref<!tpu.dma_semaphore, #tpu.memory_space<semaphore_mem>>) src(%dma_wait3A_143 : memref<64x512xf32, #tpu.memory_space<hbm>>) dst(%arg5 : memref<64x512xf32, #tpu.memory_space<vmem>>)
          tpu.yield
        }) : () -> ()
        %scan3A_132 = arith.constant 0 : i32
        %scan3A_133 = arith.constant 0 : i32
        %scan3A_134 = arith.constant 32 : i32
        %scan3A_135 = arith.addi %scan3A_133, %scan3A_134 : i32
        %scan3A_136 = arith.constant 1 : i32
        scf.for %scan3A_138 = %scan3A_133 to %scan3A_135 step %scan3A_136  : i32 {
          %mul3A_139 = arith.constant 16 : i32
          %mul3A_140 = arith.muli %scan3A_138, %mul3A_139 : i32
          %get3A_141 = arith.index_cast %mul3A_140 : i32 to index
          %get3A_142 = tpu.vector_load %arg10[%get3A_141] {strides = array<i32>} : memref<528xi32, #tpu.memory_space<vmem>>, vector<16xi32>,
          %slice3A_143 = vector.extract_strided_slice %get3A_142 {offsets = [0], sizes = [1], strides = [1]} : vector<16xi32> to vector<1xi32>
          %squeeze3A_144 = vector.extract %slice3A_143[0] : i32 from vector<1xi32>
          %add3A_145 = arith.constant 1 : i32
          %add3A_146 = arith.addi %scan3A_138, %add3A_145 : i32
          %mul3A_147 = arith.constant 16 : i32
          %mul3A_148 = arith.muli %add3A_146, %mul3A_147 : i32
          %get3A_149 = arith.index_cast %mul3A_148 : i32 to index
          %get3A_150 = tpu.vector_load %arg10[%get3A_149] {strides = array<i32>} : memref<528xi32, #tpu.memory_space<vmem>>, vector<16xi32>,
          %slice3A_151 = vector.extract_strided_slice %get3A_150 {offsets = [0], sizes = [1], strides = [1]} : vector<16xi32> to vector<1xi32>
          %squeeze3A_152 = vector.extract %slice3A_151[0] : i32 from vector<1xi32>
          %max3A = arith.maxsi %squeeze3A_144, %while3A_123 : i32
          %sub3A_153 = arith.subi %max3A, %multiple_of3A : i32
          %min3A_154 = arith.minsi %squeeze3A_152, %min3A_129 : i32
          %sub3A_155 = arith.subi %min3A_154, %multiple_of3A : i32
          %gt3A = arith.cmpi sgt, %sub3A_155, %sub3A_153 : i32
          %convert_element_type3A_156 = arith.extui %gt3A : i1 to i32
          %cond3A_157 = arith.constant 0 : i32
          %cond3A_158 = arith.cmpi ne, %convert_element_type3A_156, %cond3A_157 : i32
          scf.if %cond3A_158 {
            %while3A_159 = arith.subi %sub3A_155, %sub3A_153 : i32
            %while3A_160 = arith.addi %sub3A_153, %while3A_159 : i32
            %while3A_161 = arith.constant 1 : i32
            %while3A_162 = arith.divsi %while3A_159, %while3A_161 : i32
            %while3A_163 = arith.muli %while3A_162, %while3A_161 : i32
            %while3A_164 = arith.addi %sub3A_153, %while3A_163 : i32
            %while3A_165 = arith.constant 1 : i32
            %while3A_166:32 = scf.for %while3A_393 = %sub3A_153 to %while3A_164 step %while3A_165 iter_args(%while3A_394 = %broadcast_in_dim3A_82, %while3A_395 = %broadcast_in_dim3A_82, %while3A_396 = %broadcast_in_dim3A_82, %while3A_397 = %broadcast_in_dim3A_82, %while3A_398 = %broadcast_in_dim3A_82, %while3A_399 = %broadcast_in_dim3A_82, %while3A_400 = %broadcast_in_dim3A_82, %while3A_401 = %broadcast_in_dim3A_82, %while3A_402 = %broadcast_in_dim3A_82, %while3A_403 = %broadcast_in_dim3A_82, %while3A_404 = %broadcast_in_dim3A_82, %while3A_405 = %broadcast_in_dim3A_82, %while3A_406 = %broadcast_in_dim3A_82, %while3A_407 = %broadcast_in_dim3A_82, %while3A_408 = %broadcast_in_dim3A_82, %while3A_409 = %broadcast_in_dim3A_82, %while3A_410 = %broadcast_in_dim3A_82, %while3A_411 = %broadcast_in_dim3A_82, %while3A_412 = %broadcast_in_dim3A_82, %while3A_413 = %broadcast_in_dim3A_82, %while3A_414 = %broadcast_in_dim3A_82, %while3A_415 = %broadcast_in_dim3A_82, %while3A_416 = %broadcast_in_dim3A_82, %while3A_417 = %broadcast_in_dim3A_82, %while3A_418 = %broadcast_in_dim3A_82, %while3A_419 = %broadcast_in_dim3A_82, %while3A_420 = %broadcast_in_dim3A_82, %while3A_421 = %broadcast_in_dim3A_82, %while3A_422 = %broadcast_in_dim3A_82, %while3A_423 = %broadcast_in_dim3A_82, %while3A_424 = %broadcast_in_dim3A_82, %while3A_425 = %broadcast_in_dim3A_82) -> (vector<16xf32>, vector<16xf32>, vector<16xf32>, vector<16xf32>, vector<16xf32>, vector<16xf32>, vector<16xf32>, vector<16xf32>, vector<16xf32>, vector<16xf32>, vector<16xf32>, vector<16xf32>, vector<16xf32>, vector<16xf32>, vector<16xf32>, vector<16xf32>, vector<16xf32>, vector<16xf32>, vector<16xf32>, vector<16xf32>, vector<16xf32>, vector<16xf32>, vector<16xf32>, vector<16xf32>, vector<16xf32>, vector<16xf32>, vector<16xf32>, vector<16xf32>, vector<16xf32>, vector<16xf32>, vector<16xf32>, vector<16xf32>)  : i32 {
              %get3A_426 = arith.index_cast %while3A_393 : i32 to index
              %get3A_427 = arith.constant 0 : index
              %get3A_428 = tpu.vector_load %arg5[%get3A_426, %get3A_427] {strides = array<i32>} : memref<64x512xf32, #tpu.memory_space<vmem>>, vector<16xf32>,
              %add3A_429 = arith.addf %while3A_394, %get3A_428 : vector<16xf32>
              %get3A_430 = arith.index_cast %while3A_393 : i32 to index
              %get3A_431 = arith.constant 16 : index
              %get3A_432 = tpu.vector_load %arg5[%get3A_430, %get3A_431] {strides = array<i32>} : memref<64x512xf32, #tpu.memory_space<vmem>>, vector<16xf32>,
              %add3A_433 = arith.addf %while3A_395, %get3A_432 : vector<16xf32>
              %get3A_434 = arith.index_cast %while3A_393 : i32 to index
              %get3A_435 = arith.constant 32 : index
              %get3A_436 = tpu.vector_load %arg5[%get3A_434, %get3A_435] {strides = array<i32>} : memref<64x512xf32, #tpu.memory_space<vmem>>, vector<16xf32>,
              %add3A_437 = arith.addf %while3A_396, %get3A_436 : vector<16xf32>
              %get3A_438 = arith.index_cast %while3A_393 : i32 to index
              %get3A_439 = arith.constant 48 : index
              %get3A_440 = tpu.vector_load %arg5[%get3A_438, %get3A_439] {strides = array<i32>} : memref<64x512xf32, #tpu.memory_space<vmem>>, vector<16xf32>,
              %add3A_441 = arith.addf %while3A_397, %get3A_440 : vector<16xf32>
              %get3A_442 = arith.index_cast %while3A_393 : i32 to index
              %get3A_443 = arith.constant 64 : index
              %get3A_444 = tpu.vector_load %arg5[%get3A_442, %get3A_443] {strides = array<i32>} : memref<64x512xf32, #tpu.memory_space<vmem>>, vector<16xf32>,
              %add3A_445 = arith.addf %while3A_398, %get3A_444 : vector<16xf32>
              %get3A_446 = arith.index_cast %while3A_393 : i32 to index
              %get3A_447 = arith.constant 80 : index
              %get3A_448 = tpu.vector_load %arg5[%get3A_446, %get3A_447] {strides = array<i32>} : memref<64x512xf32, #tpu.memory_space<vmem>>, vector<16xf32>,
              %add3A_449 = arith.addf %while3A_399, %get3A_448 : vector<16xf32>
              %get3A_450 = arith.index_cast %while3A_393 : i32 to index
              %get3A_451 = arith.constant 96 : index
              %get3A_452 = tpu.vector_load %arg5[%get3A_450, %get3A_451] {strides = array<i32>} : memref<64x512xf32, #tpu.memory_space<vmem>>, vector<16xf32>,
              %add3A_453 = arith.addf %while3A_400, %get3A_452 : vector<16xf32>
              %get3A_454 = arith.index_cast %while3A_393 : i32 to index
              %get3A_455 = arith.constant 112 : index
              %get3A_456 = tpu.vector_load %arg5[%get3A_454, %get3A_455] {strides = array<i32>} : memref<64x512xf32, #tpu.memory_space<vmem>>, vector<16xf32>,
              %add3A_457 = arith.addf %while3A_401, %get3A_456 : vector<16xf32>
              %get3A_458 = arith.index_cast %while3A_393 : i32 to index
              %get3A_459 = arith.constant 128 : index
              %get3A_460 = tpu.vector_load %arg5[%get3A_458, %get3A_459] {strides = array<i32>} : memref<64x512xf32, #tpu.memory_space<vmem>>, vector<16xf32>,
              %add3A_461 = arith.addf %while3A_402, %get3A_460 : vector<16xf32>
              %get3A_462 = arith.index_cast %while3A_393 : i32 to index
              %get3A_463 = arith.constant 144 : index
              %get3A_464 = tpu.vector_load %arg5[%get3A_462, %get3A_463] {strides = array<i32>} : memref<64x512xf32, #tpu.memory_space<vmem>>, vector<16xf32>,
              %add3A_465 = arith.addf %while3A_403, %get3A_464 : vector<16xf32>
              %get3A_466 = arith.index_cast %while3A_393 : i32 to index
              %get3A_467 = arith.constant 160 : index
              %get3A_468 = tpu.vector_load %arg5[%get3A_466, %get3A_467] {strides = array<i32>} : memref<64x512xf32, #tpu.memory_space<vmem>>, vector<16xf32>,
              %add3A_469 = arith.addf %while3A_404, %get3A_468 : vector<16xf32>
              %get3A_470 = arith.index_cast %while3A_393 : i32 to index
              %get3A_471 = arith.constant 176 : index
              %get3A_472 = tpu.vector_load %arg5[%get3A_470, %get3A_471] {strides = array<i32>} : memref<64x512xf32, #tpu.memory_space<vmem>>, vector<16xf32>,
              %add3A_473 = arith.addf %while3A_405, %get3A_472 : vector<16xf32>
              %get3A_474 = arith.index_cast %while3A_393 : i32 to index
              %get3A_475 = arith.constant 192 : index
              %get3A_476 = tpu.vector_load %arg5[%get3A_474, %get3A_475] {strides = array<i32>} : memref<64x512xf32, #tpu.memory_space<vmem>>, vector<16xf32>,
              %add3A_477 = arith.addf %while3A_406, %get3A_476 : vector<16xf32>
              %get3A_478 = arith.index_cast %while3A_393 : i32 to index
              %get3A_479 = arith.constant 208 : index
              %get3A_480 = tpu.vector_load %arg5[%get3A_478, %get3A_479] {strides = array<i32>} : memref<64x512xf32, #tpu.memory_space<vmem>>, vector<16xf32>,
              %add3A_481 = arith.addf %while3A_407, %get3A_480 : vector<16xf32>
              %get3A_482 = arith.index_cast %while3A_393 : i32 to index
              %get3A_483 = arith.constant 224 : index
              %get3A_484 = tpu.vector_load %arg5[%get3A_482, %get3A_483] {strides = array<i32>} : memref<64x512xf32, #tpu.memory_space<vmem>>, vector<16xf32>,
              %add3A_485 = arith.addf %while3A_408, %get3A_484 : vector<16xf32>
              %get3A_486 = arith.index_cast %while3A_393 : i32 to index
              %get3A_487 = arith.constant 240 : index
              %get3A_488 = tpu.vector_load %arg5[%get3A_486, %get3A_487] {strides = array<i32>} : memref<64x512xf32, #tpu.memory_space<vmem>>, vector<16xf32>,
              %add3A_489 = arith.addf %while3A_409, %get3A_488 : vector<16xf32>
              %get3A_490 = arith.index_cast %while3A_393 : i32 to index
              %get3A_491 = arith.constant 256 : index
              %get3A_492 = tpu.vector_load %arg5[%get3A_490, %get3A_491] {strides = array<i32>} : memref<64x512xf32, #tpu.memory_space<vmem>>, vector<16xf32>,
              %add3A_493 = arith.addf %while3A_410, %get3A_492 : vector<16xf32>
              %get3A_494 = arith.index_cast %while3A_393 : i32 to index
              %get3A_495 = arith.constant 272 : index
              %get3A_496 = tpu.vector_load %arg5[%get3A_494, %get3A_495] {strides = array<i32>} : memref<64x512xf32, #tpu.memory_space<vmem>>, vector<16xf32>,
              %add3A_497 = arith.addf %while3A_411, %get3A_496 : vector<16xf32>
              %get3A_498 = arith.index_cast %while3A_393 : i32 to index
              %get3A_499 = arith.constant 288 : index
              %get3A_500 = tpu.vector_load %arg5[%get3A_498, %get3A_499] {strides = array<i32>} : memref<64x512xf32, #tpu.memory_space<vmem>>, vector<16xf32>,
              %add3A_501 = arith.addf %while3A_412, %get3A_500 : vector<16xf32>
              %get3A_502 = arith.index_cast %while3A_393 : i32 to index
              %get3A_503 = arith.constant 304 : index
              %get3A_504 = tpu.vector_load %arg5[%get3A_502, %get3A_503] {strides = array<i32>} : memref<64x512xf32, #tpu.memory_space<vmem>>, vector<16xf32>,
              %add3A_505 = arith.addf %while3A_413, %get3A_504 : vector<16xf32>
              %get3A_506 = arith.index_cast %while3A_393 : i32 to index
              %get3A_507 = arith.constant 320 : index
              %get3A_508 = tpu.vector_load %arg5[%get3A_506, %get3A_507] {strides = array<i32>} : memref<64x512xf32, #tpu.memory_space<vmem>>, vector<16xf32>,
              %add3A_509 = arith.addf %while3A_414, %get3A_508 : vector<16xf32>
              %get3A_510 = arith.index_cast %while3A_393 : i32 to index
              %get3A_511 = arith.constant 336 : index
              %get3A_512 = tpu.vector_load %arg5[%get3A_510, %get3A_511] {strides = array<i32>} : memref<64x512xf32, #tpu.memory_space<vmem>>, vector<16xf32>,
              %add3A_513 = arith.addf %while3A_415, %get3A_512 : vector<16xf32>
              %get3A_514 = arith.index_cast %while3A_393 : i32 to index
              %get3A_515 = arith.constant 352 : index
              %get3A_516 = tpu.vector_load %arg5[%get3A_514, %get3A_515] {strides = array<i32>} : memref<64x512xf32, #tpu.memory_space<vmem>>, vector<16xf32>,
              %add3A_517 = arith.addf %while3A_416, %get3A_516 : vector<16xf32>
              %get3A_518 = arith.index_cast %while3A_393 : i32 to index
              %get3A_519 = arith.constant 368 : index
              %get3A_520 = tpu.vector_load %arg5[%get3A_518, %get3A_519] {strides = array<i32>} : memref<64x512xf32, #tpu.memory_space<vmem>>, vector<16xf32>,
              %add3A_521 = arith.addf %while3A_417, %get3A_520 : vector<16xf32>
              %get3A_522 = arith.index_cast %while3A_393 : i32 to index
              %get3A_523 = arith.constant 384 : index
              %get3A_524 = tpu.vector_load %arg5[%get3A_522, %get3A_523] {strides = array<i32>} : memref<64x512xf32, #tpu.memory_space<vmem>>, vector<16xf32>,
              %add3A_525 = arith.addf %while3A_418, %get3A_524 : vector<16xf32>
              %get3A_526 = arith.index_cast %while3A_393 : i32 to index
              %get3A_527 = arith.constant 400 : index
              %get3A_528 = tpu.vector_load %arg5[%get3A_526, %get3A_527] {strides = array<i32>} : memref<64x512xf32, #tpu.memory_space<vmem>>, vector<16xf32>,
              %add3A_529 = arith.addf %while3A_419, %get3A_528 : vector<16xf32>
              %get3A_530 = arith.index_cast %while3A_393 : i32 to index
              %get3A_531 = arith.constant 416 : index
              %get3A_532 = tpu.vector_load %arg5[%get3A_530, %get3A_531] {strides = array<i32>} : memref<64x512xf32, #tpu.memory_space<vmem>>, vector<16xf32>,
              %add3A_533 = arith.addf %while3A_420, %get3A_532 : vector<16xf32>
              %get3A_534 = arith.index_cast %while3A_393 : i32 to index
              %get3A_535 = arith.constant 432 : index
              %get3A_536 = tpu.vector_load %arg5[%get3A_534, %get3A_535] {strides = array<i32>} : memref<64x512xf32, #tpu.memory_space<vmem>>, vector<16xf32>,
              %add3A_537 = arith.addf %while3A_421, %get3A_536 : vector<16xf32>
              %get3A_538 = arith.index_cast %while3A_393 : i32 to index
              %get3A_539 = arith.constant 448 : index
              %get3A_540 = tpu.vector_load %arg5[%get3A_538, %get3A_539] {strides = array<i32>} : memref<64x512xf32, #tpu.memory_space<vmem>>, vector<16xf32>,
              %add3A_541 = arith.addf %while3A_422, %get3A_540 : vector<16xf32>
              %get3A_542 = arith.index_cast %while3A_393 : i32 to index
              %get3A_543 = arith.constant 464 : index
              %get3A_544 = tpu.vector_load %arg5[%get3A_542, %get3A_543] {strides = array<i32>} : memref<64x512xf32, #tpu.memory_space<vmem>>, vector<16xf32>,
              %add3A_545 = arith.addf %while3A_423, %get3A_544 : vector<16xf32>
              %get3A_546 = arith.index_cast %while3A_393 : i32 to index
              %get3A_547 = arith.constant 480 : index
              %get3A_548 = tpu.vector_load %arg5[%get3A_546, %get3A_547] {strides = array<i32>} : memref<64x512xf32, #tpu.memory_space<vmem>>, vector<16xf32>,
              %add3A_549 = arith.addf %while3A_424, %get3A_548 : vector<16xf32>
              %get3A_550 = arith.index_cast %while3A_393 : i32 to index
              %get3A_551 = arith.constant 496 : index
              %get3A_552 = tpu.vector_load %arg5[%get3A_550, %get3A_551] {strides = array<i32>} : memref<64x512xf32, #tpu.memory_space<vmem>>, vector<16xf32>,
              %add3A_553 = arith.addf %while3A_425, %get3A_552 : vector<16xf32>
              scf.yield %add3A_429, %add3A_433, %add3A_437, %add3A_441, %add3A_445, %add3A_449, %add3A_453, %add3A_457, %add3A_461, %add3A_465, %add3A_469, %add3A_473, %add3A_477, %add3A_481, %add3A_485, %add3A_489, %add3A_493, %add3A_497, %add3A_501, %add3A_505, %add3A_509, %add3A_513, %add3A_517, %add3A_521, %add3A_525, %add3A_529, %add3A_533, %add3A_537, %add3A_541, %add3A_545, %add3A_549, %add3A_553 : vector<16xf32>, vector<16xf32>, vector<16xf32>, vector<16xf32>, vector<16xf32>, vector<16xf32>, vector<16xf32>, vector<16xf32>, vector<16xf32>, vector<16xf32>, vector<16xf32>, vector<16xf32>, vector<16xf32>, vector<16xf32>, vector<16xf32>, vector<16xf32>, vector<16xf32>, vector<16xf32>, vector<16xf32>, vector<16xf32>, vector<16xf32>, vector<16xf32>, vector<16xf32>, vector<16xf32>, vector<16xf32>, vector<16xf32>, vector<16xf32>, vector<16xf32>, vector<16xf32>, vector<16xf32>, vector<16xf32>, vector<16xf32>
            }
            %while3A_167 = arith.constant 1 : i32
            %while3A_168:32 = scf.for %while3A_393 = %while3A_164 to %while3A_160 step %while3A_167 iter_args(%while3A_394 = %while3A_166#0, %while3A_395 = %while3A_166#1, %while3A_396 = %while3A_166#2, %while3A_397 = %while3A_166#3, %while3A_398 = %while3A_166#4, %while3A_399 = %while3A_166#5, %while3A_400 = %while3A_166#6, %while3A_401 = %while3A_166#7, %while3A_402 = %while3A_166#8, %while3A_403 = %while3A_166#9, %while3A_404 = %while3A_166#10, %while3A_405 = %while3A_166#11, %while3A_406 = %while3A_166#12, %while3A_407 = %while3A_166#13, %while3A_408 = %while3A_166#14, %while3A_409 = %while3A_166#15, %while3A_410 = %while3A_166#16, %while3A_411 = %while3A_166#17, %while3A_412 = %while3A_166#18, %while3A_413 = %while3A_166#19, %while3A_414 = %while3A_166#20, %while3A_415 = %while3A_166#21, %while3A_416 = %while3A_166#22, %while3A_417 = %while3A_166#23, %while3A_418 = %while3A_166#24, %while3A_419 = %while3A_166#25, %while3A_420 = %while3A_166#26, %while3A_421 = %while3A_166#27, %while3A_422 = %while3A_166#28, %while3A_423 = %while3A_166#29, %while3A_424 = %while3A_166#30, %while3A_425 = %while3A_166#31) -> (vector<16xf32>, vector<16xf32>, vector<16xf32>, vector<16xf32>, vector<16xf32>, vector<16xf32>, vector<16xf32>, vector<16xf32>, vector<16xf32>, vector<16xf32>, vector<16xf32>, vector<16xf32>, vector<16xf32>, vector<16xf32>, vector<16xf32>, vector<16xf32>, vector<16xf32>, vector<16xf32>, vector<16xf32>, vector<16xf32>, vector<16xf32>, vector<16xf32>, vector<16xf32>, vector<16xf32>, vector<16xf32>, vector<16xf32>, vector<16xf32>, vector<16xf32>, vector<16xf32>, vector<16xf32>, vector<16xf32>, vector<16xf32>)  : i32 {
              %get3A_426 = arith.index_cast %while3A_393 : i32 to index
              %get3A_427 = arith.constant 0 : index
              %get3A_428 = tpu.vector_load %arg5[%get3A_426, %get3A_427] {strides = array<i32>} : memref<64x512xf32, #tpu.memory_space<vmem>>, vector<16xf32>,
              %add3A_429 = arith.addf %while3A_394, %get3A_428 : vector<16xf32>
              %get3A_430 = arith.index_cast %while3A_393 : i32 to index
              %get3A_431 = arith.constant 16 : index
              %get3A_432 = tpu.vector_load %arg5[%get3A_430, %get3A_431] {strides = array<i32>} : memref<64x512xf32, #tpu.memory_space<vmem>>, vector<16xf32>,
              %add3A_433 = arith.addf %while3A_395, %get3A_432 : vector<16xf32>
              %get3A_434 = arith.index_cast %while3A_393 : i32 to index
              %get3A_435 = arith.constant 32 : index
              %get3A_436 = tpu.vector_load %arg5[%get3A_434, %get3A_435] {strides = array<i32>} : memref<64x512xf32, #tpu.memory_space<vmem>>, vector<16xf32>,
              %add3A_437 = arith.addf %while3A_396, %get3A_436 : vector<16xf32>
              %get3A_438 = arith.index_cast %while3A_393 : i32 to index
              %get3A_439 = arith.constant 48 : index
              %get3A_440 = tpu.vector_load %arg5[%get3A_438, %get3A_439] {strides = array<i32>} : memref<64x512xf32, #tpu.memory_space<vmem>>, vector<16xf32>,
              %add3A_441 = arith.addf %while3A_397, %get3A_440 : vector<16xf32>
              %get3A_442 = arith.index_cast %while3A_393 : i32 to index
              %get3A_443 = arith.constant 64 : index
              %get3A_444 = tpu.vector_load %arg5[%get3A_442, %get3A_443] {strides = array<i32>} : memref<64x512xf32, #tpu.memory_space<vmem>>, vector<16xf32>,
              %add3A_445 = arith.addf %while3A_398, %get3A_444 : vector<16xf32>
              %get3A_446 = arith.index_cast %while3A_393 : i32 to index
              %get3A_447 = arith.constant 80 : index
              %get3A_448 = tpu.vector_load %arg5[%get3A_446, %get3A_447] {strides = array<i32>} : memref<64x512xf32, #tpu.memory_space<vmem>>, vector<16xf32>,
              %add3A_449 = arith.addf %while3A_399, %get3A_448 : vector<16xf32>
              %get3A_450 = arith.index_cast %while3A_393 : i32 to index
              %get3A_451 = arith.constant 96 : index
              %get3A_452 = tpu.vector_load %arg5[%get3A_450, %get3A_451] {strides = array<i32>} : memref<64x512xf32, #tpu.memory_space<vmem>>, vector<16xf32>,
              %add3A_453 = arith.addf %while3A_400, %get3A_452 : vector<16xf32>
              %get3A_454 = arith.index_cast %while3A_393 : i32 to index
              %get3A_455 = arith.constant 112 : index
              %get3A_456 = tpu.vector_load %arg5[%get3A_454, %get3A_455] {strides = array<i32>} : memref<64x512xf32, #tpu.memory_space<vmem>>, vector<16xf32>,
              %add3A_457 = arith.addf %while3A_401, %get3A_456 : vector<16xf32>
              %get3A_458 = arith.index_cast %while3A_393 : i32 to index
              %get3A_459 = arith.constant 128 : index
              %get3A_460 = tpu.vector_load %arg5[%get3A_458, %get3A_459] {strides = array<i32>} : memref<64x512xf32, #tpu.memory_space<vmem>>, vector<16xf32>,
              %add3A_461 = arith.addf %while3A_402, %get3A_460 : vector<16xf32>
              %get3A_462 = arith.index_cast %while3A_393 : i32 to index
              %get3A_463 = arith.constant 144 : index
              %get3A_464 = tpu.vector_load %arg5[%get3A_462, %get3A_463] {strides = array<i32>} : memref<64x512xf32, #tpu.memory_space<vmem>>, vector<16xf32>,
              %add3A_465 = arith.addf %while3A_403, %get3A_464 : vector<16xf32>
              %get3A_466 = arith.index_cast %while3A_393 : i32 to index
              %get3A_467 = arith.constant 160 : index
              %get3A_468 = tpu.vector_load %arg5[%get3A_466, %get3A_467] {strides = array<i32>} : memref<64x512xf32, #tpu.memory_space<vmem>>, vector<16xf32>,
              %add3A_469 = arith.addf %while3A_404, %get3A_468 : vector<16xf32>
              %get3A_470 = arith.index_cast %while3A_393 : i32 to index
              %get3A_471 = arith.constant 176 : index
              %get3A_472 = tpu.vector_load %arg5[%get3A_470, %get3A_471] {strides = array<i32>} : memref<64x512xf32, #tpu.memory_space<vmem>>, vector<16xf32>,
              %add3A_473 = arith.addf %while3A_405, %get3A_472 : vector<16xf32>
              %get3A_474 = arith.index_cast %while3A_393 : i32 to index
              %get3A_475 = arith.constant 192 : index
              %get3A_476 = tpu.vector_load %arg5[%get3A_474, %get3A_475] {strides = array<i32>} : memref<64x512xf32, #tpu.memory_space<vmem>>, vector<16xf32>,
              %add3A_477 = arith.addf %while3A_406, %get3A_476 : vector<16xf32>
              %get3A_478 = arith.index_cast %while3A_393 : i32 to index
              %get3A_479 = arith.constant 208 : index
              %get3A_480 = tpu.vector_load %arg5[%get3A_478, %get3A_479] {strides = array<i32>} : memref<64x512xf32, #tpu.memory_space<vmem>>, vector<16xf32>,
              %add3A_481 = arith.addf %while3A_407, %get3A_480 : vector<16xf32>
              %get3A_482 = arith.index_cast %while3A_393 : i32 to index
              %get3A_483 = arith.constant 224 : index
              %get3A_484 = tpu.vector_load %arg5[%get3A_482, %get3A_483] {strides = array<i32>} : memref<64x512xf32, #tpu.memory_space<vmem>>, vector<16xf32>,
              %add3A_485 = arith.addf %while3A_408, %get3A_484 : vector<16xf32>
              %get3A_486 = arith.index_cast %while3A_393 : i32 to index
              %get3A_487 = arith.constant 240 : index
              %get3A_488 = tpu.vector_load %arg5[%get3A_486, %get3A_487] {strides = array<i32>} : memref<64x512xf32, #tpu.memory_space<vmem>>, vector<16xf32>,
              %add3A_489 = arith.addf %while3A_409, %get3A_488 : vector<16xf32>
              %get3A_490 = arith.index_cast %while3A_393 : i32 to index
              %get3A_491 = arith.constant 256 : index
              %get3A_492 = tpu.vector_load %arg5[%get3A_490, %get3A_491] {strides = array<i32>} : memref<64x512xf32, #tpu.memory_space<vmem>>, vector<16xf32>,
              %add3A_493 = arith.addf %while3A_410, %get3A_492 : vector<16xf32>
              %get3A_494 = arith.index_cast %while3A_393 : i32 to index
              %get3A_495 = arith.constant 272 : index
              %get3A_496 = tpu.vector_load %arg5[%get3A_494, %get3A_495] {strides = array<i32>} : memref<64x512xf32, #tpu.memory_space<vmem>>, vector<16xf32>,
              %add3A_497 = arith.addf %while3A_411, %get3A_496 : vector<16xf32>
              %get3A_498 = arith.index_cast %while3A_393 : i32 to index
              %get3A_499 = arith.constant 288 : index
              %get3A_500 = tpu.vector_load %arg5[%get3A_498, %get3A_499] {strides = array<i32>} : memref<64x512xf32, #tpu.memory_space<vmem>>, vector<16xf32>,
              %add3A_501 = arith.addf %while3A_412, %get3A_500 : vector<16xf32>
              %get3A_502 = arith.index_cast %while3A_393 : i32 to index
              %get3A_503 = arith.constant 304 : index
              %get3A_504 = tpu.vector_load %arg5[%get3A_502, %get3A_503] {strides = array<i32>} : memref<64x512xf32, #tpu.memory_space<vmem>>, vector<16xf32>,
              %add3A_505 = arith.addf %while3A_413, %get3A_504 : vector<16xf32>
              %get3A_506 = arith.index_cast %while3A_393 : i32 to index
              %get3A_507 = arith.constant 320 : index
              %get3A_508 = tpu.vector_load %arg5[%get3A_506, %get3A_507] {strides = array<i32>} : memref<64x512xf32, #tpu.memory_space<vmem>>, vector<16xf32>,
              %add3A_509 = arith.addf %while3A_414, %get3A_508 : vector<16xf32>
              %get3A_510 = arith.index_cast %while3A_393 : i32 to index
              %get3A_511 = arith.constant 336 : index
              %get3A_512 = tpu.vector_load %arg5[%get3A_510, %get3A_511] {strides = array<i32>} : memref<64x512xf32, #tpu.memory_space<vmem>>, vector<16xf32>,
              %add3A_513 = arith.addf %while3A_415, %get3A_512 : vector<16xf32>
              %get3A_514 = arith.index_cast %while3A_393 : i32 to index
              %get3A_515 = arith.constant 352 : index
              %get3A_516 = tpu.vector_load %arg5[%get3A_514, %get3A_515] {strides = array<i32>} : memref<64x512xf32, #tpu.memory_space<vmem>>, vector<16xf32>,
              %add3A_517 = arith.addf %while3A_416, %get3A_516 : vector<16xf32>
              %get3A_518 = arith.index_cast %while3A_393 : i32 to index
              %get3A_519 = arith.constant 368 : index
              %get3A_520 = tpu.vector_load %arg5[%get3A_518, %get3A_519] {strides = array<i32>} : memref<64x512xf32, #tpu.memory_space<vmem>>, vector<16xf32>,
              %add3A_521 = arith.addf %while3A_417, %get3A_520 : vector<16xf32>
              %get3A_522 = arith.index_cast %while3A_393 : i32 to index
              %get3A_523 = arith.constant 384 : index
              %get3A_524 = tpu.vector_load %arg5[%get3A_522, %get3A_523] {strides = array<i32>} : memref<64x512xf32, #tpu.memory_space<vmem>>, vector<16xf32>,
              %add3A_525 = arith.addf %while3A_418, %get3A_524 : vector<16xf32>
              %get3A_526 = arith.index_cast %while3A_393 : i32 to index
              %get3A_527 = arith.constant 400 : index
              %get3A_528 = tpu.vector_load %arg5[%get3A_526, %get3A_527] {strides = array<i32>} : memref<64x512xf32, #tpu.memory_space<vmem>>, vector<16xf32>,
              %add3A_529 = arith.addf %while3A_419, %get3A_528 : vector<16xf32>
              %get3A_530 = arith.index_cast %while3A_393 : i32 to index
              %get3A_531 = arith.constant 416 : index
              %get3A_532 = tpu.vector_load %arg5[%get3A_530, %get3A_531] {strides = array<i32>} : memref<64x512xf32, #tpu.memory_space<vmem>>, vector<16xf32>,
              %add3A_533 = arith.addf %while3A_420, %get3A_532 : vector<16xf32>
              %get3A_534 = arith.index_cast %while3A_393 : i32 to index
              %get3A_535 = arith.constant 432 : index
              %get3A_536 = tpu.vector_load %arg5[%get3A_534, %get3A_535] {strides = array<i32>} : memref<64x512xf32, #tpu.memory_space<vmem>>, vector<16xf32>,
              %add3A_537 = arith.addf %while3A_421, %get3A_536 : vector<16xf32>
              %get3A_538 = arith.index_cast %while3A_393 : i32 to index
              %get3A_539 = arith.constant 448 : index
              %get3A_540 = tpu.vector_load %arg5[%get3A_538, %get3A_539] {strides = array<i32>} : memref<64x512xf32, #tpu.memory_space<vmem>>, vector<16xf32>,
              %add3A_541 = arith.addf %while3A_422, %get3A_540 : vector<16xf32>
              %get3A_542 = arith.index_cast %while3A_393 : i32 to index
              %get3A_543 = arith.constant 464 : index
              %get3A_544 = tpu.vector_load %arg5[%get3A_542, %get3A_543] {strides = array<i32>} : memref<64x512xf32, #tpu.memory_space<vmem>>, vector<16xf32>,
              %add3A_545 = arith.addf %while3A_423, %get3A_544 : vector<16xf32>
              %get3A_546 = arith.index_cast %while3A_393 : i32 to index
              %get3A_547 = arith.constant 480 : index
              %get3A_548 = tpu.vector_load %arg5[%get3A_546, %get3A_547] {strides = array<i32>} : memref<64x512xf32, #tpu.memory_space<vmem>>, vector<16xf32>,
              %add3A_549 = arith.addf %while3A_424, %get3A_548 : vector<16xf32>
              %get3A_550 = arith.index_cast %while3A_393 : i32 to index
              %get3A_551 = arith.constant 496 : index
              %get3A_552 = tpu.vector_load %arg5[%get3A_550, %get3A_551] {strides = array<i32>} : memref<64x512xf32, #tpu.memory_space<vmem>>, vector<16xf32>,
              %add3A_553 = arith.addf %while3A_425, %get3A_552 : vector<16xf32>
              scf.yield %add3A_429, %add3A_433, %add3A_437, %add3A_441, %add3A_445, %add3A_449, %add3A_453, %add3A_457, %add3A_461, %add3A_465, %add3A_469, %add3A_473, %add3A_477, %add3A_481, %add3A_485, %add3A_489, %add3A_493, %add3A_497, %add3A_501, %add3A_505, %add3A_509, %add3A_513, %add3A_517, %add3A_521, %add3A_525, %add3A_529, %add3A_533, %add3A_537, %add3A_541, %add3A_545, %add3A_549, %add3A_553 : vector<16xf32>, vector<16xf32>, vector<16xf32>, vector<16xf32>, vector<16xf32>, vector<16xf32>, vector<16xf32>, vector<16xf32>, vector<16xf32>, vector<16xf32>, vector<16xf32>, vector<16xf32>, vector<16xf32>, vector<16xf32>, vector<16xf32>, vector<16xf32>, vector<16xf32>, vector<16xf32>, vector<16xf32>, vector<16xf32>, vector<16xf32>, vector<16xf32>, vector<16xf32>, vector<16xf32>, vector<16xf32>, vector<16xf32>, vector<16xf32>, vector<16xf32>, vector<16xf32>, vector<16xf32>, vector<16xf32>, vector<16xf32>
            }
            %get3A_169 = arith.index_cast %scan3A_138 : i32 to index
            %get3A_170 = arith.constant 0 : index
            %get3A_171 = tpu.vector_load %arg8[%get3A_169, %get3A_170] {strides = array<i32>} : memref<32x512xf32, #tpu.memory_space<vmem>>, vector<16xf32>,
            %add3A_172 = arith.addf %get3A_171, %while3A_168#0 : vector<16xf32>
            %swap3A_173 = arith.index_cast %scan3A_138 : i32 to index
            %swap3A_174 = arith.constant 0 : index
            %swap3A_175 = tpu.vector_load %arg8[%swap3A_173, %swap3A_174] {strides = array<i32>} : memref<32x512xf32, #tpu.memory_space<vmem>>, vector<16xf32>,
            tpu.vector_store %arg8[%swap3A_173, %swap3A_174], %add3A_172 {strides = array<i32>} : memref<32x512xf32, #tpu.memory_space<vmem>>, vector<16xf32>,
            %get3A_176 = arith.index_cast %scan3A_138 : i32 to index
            %get3A_177 = arith.constant 16 : index
            %get3A_178 = tpu.vector_load %arg8[%get3A_176, %get3A_177] {strides = array<i32>} : memref<32x512xf32, #tpu.memory_space<vmem>>, vector<16xf32>,
            %add3A_179 = arith.addf %get3A_178, %while3A_168#1 : vector<16xf32>
            %swap3A_180 = arith.index_cast %scan3A_138 : i32 to index
            %swap3A_181 = arith.constant 16 : index
            %swap3A_182 = tpu.vector_load %arg8[%swap3A_180, %swap3A_181] {strides = array<i32>} : memref<32x512xf32, #tpu.memory_space<vmem>>, vector<16xf32>,
            tpu.vector_store %arg8[%swap3A_180, %swap3A_181], %add3A_179 {strides = array<i32>} : memref<32x512xf32, #tpu.memory_space<vmem>>, vector<16xf32>,
            %get3A_183 = arith.index_cast %scan3A_138 : i32 to index
            %get3A_184 = arith.constant 32 : index
            %get3A_185 = tpu.vector_load %arg8[%get3A_183, %get3A_184] {strides = array<i32>} : memref<32x512xf32, #tpu.memory_space<vmem>>, vector<16xf32>,
            %add3A_186 = arith.addf %get3A_185, %while3A_168#2 : vector<16xf32>
            %swap3A_187 = arith.index_cast %scan3A_138 : i32 to index
            %swap3A_188 = arith.constant 32 : index
            %swap3A_189 = tpu.vector_load %arg8[%swap3A_187, %swap3A_188] {strides = array<i32>} : memref<32x512xf32, #tpu.memory_space<vmem>>, vector<16xf32>,
            tpu.vector_store %arg8[%swap3A_187, %swap3A_188], %add3A_186 {strides = array<i32>} : memref<32x512xf32, #tpu.memory_space<vmem>>, vector<16xf32>,
            %get3A_190 = arith.index_cast %scan3A_138 : i32 to index
            %get3A_191 = arith.constant 48 : index
            %get3A_192 = tpu.vector_load %arg8[%get3A_190, %get3A_191] {strides = array<i32>} : memref<32x512xf32, #tpu.memory_space<vmem>>, vector<16xf32>,
            %add3A_193 = arith.addf %get3A_192, %while3A_168#3 : vector<16xf32>
            %swap3A_194 = arith.index_cast %scan3A_138 : i32 to index
            %swap3A_195 = arith.constant 48 : index
            %swap3A_196 = tpu.vector_load %arg8[%swap3A_194, %swap3A_195] {strides = array<i32>} : memref<32x512xf32, #tpu.memory_space<vmem>>, vector<16xf32>,
            tpu.vector_store %arg8[%swap3A_194, %swap3A_195], %add3A_193 {strides = array<i32>} : memref<32x512xf32, #tpu.memory_space<vmem>>, vector<16xf32>,
            %get3A_197 = arith.index_cast %scan3A_138 : i32 to index
            %get3A_198 = arith.constant 64 : index
            %get3A_199 = tpu.vector_load %arg8[%get3A_197, %get3A_198] {strides = array<i32>} : memref<32x512xf32, #tpu.memory_space<vmem>>, vector<16xf32>,
            %add3A_200 = arith.addf %get3A_199, %while3A_168#4 : vector<16xf32>
            %swap3A_201 = arith.index_cast %scan3A_138 : i32 to index
            %swap3A_202 = arith.constant 64 : index
            %swap3A_203 = tpu.vector_load %arg8[%swap3A_201, %swap3A_202] {strides = array<i32>} : memref<32x512xf32, #tpu.memory_space<vmem>>, vector<16xf32>,
            tpu.vector_store %arg8[%swap3A_201, %swap3A_202], %add3A_200 {strides = array<i32>} : memref<32x512xf32, #tpu.memory_space<vmem>>, vector<16xf32>,
            %get3A_204 = arith.index_cast %scan3A_138 : i32 to index
            %get3A_205 = arith.constant 80 : index
            %get3A_206 = tpu.vector_load %arg8[%get3A_204, %get3A_205] {strides = array<i32>} : memref<32x512xf32, #tpu.memory_space<vmem>>, vector<16xf32>,
            %add3A_207 = arith.addf %get3A_206, %while3A_168#5 : vector<16xf32>
            %swap3A_208 = arith.index_cast %scan3A_138 : i32 to index
            %swap3A_209 = arith.constant 80 : index
            %swap3A_210 = tpu.vector_load %arg8[%swap3A_208, %swap3A_209] {strides = array<i32>} : memref<32x512xf32, #tpu.memory_space<vmem>>, vector<16xf32>,
            tpu.vector_store %arg8[%swap3A_208, %swap3A_209], %add3A_207 {strides = array<i32>} : memref<32x512xf32, #tpu.memory_space<vmem>>, vector<16xf32>,
            %get3A_211 = arith.index_cast %scan3A_138 : i32 to index
            %get3A_212 = arith.constant 96 : index
            %get3A_213 = tpu.vector_load %arg8[%get3A_211, %get3A_212] {strides = array<i32>} : memref<32x512xf32, #tpu.memory_space<vmem>>, vector<16xf32>,
            %add3A_214 = arith.addf %get3A_213, %while3A_168#6 : vector<16xf32>
            %swap3A_215 = arith.index_cast %scan3A_138 : i32 to index
            %swap3A_216 = arith.constant 96 : index
            %swap3A_217 = tpu.vector_load %arg8[%swap3A_215, %swap3A_216] {strides = array<i32>} : memref<32x512xf32, #tpu.memory_space<vmem>>, vector<16xf32>,
            tpu.vector_store %arg8[%swap3A_215, %swap3A_216], %add3A_214 {strides = array<i32>} : memref<32x512xf32, #tpu.memory_space<vmem>>, vector<16xf32>,
            %get3A_218 = arith.index_cast %scan3A_138 : i32 to index
            %get3A_219 = arith.constant 112 : index
            %get3A_220 = tpu.vector_load %arg8[%get3A_218, %get3A_219] {strides = array<i32>} : memref<32x512xf32, #tpu.memory_space<vmem>>, vector<16xf32>,
            %add3A_221 = arith.addf %get3A_220, %while3A_168#7 : vector<16xf32>
            %swap3A_222 = arith.index_cast %scan3A_138 : i32 to index
            %swap3A_223 = arith.constant 112 : index
            %swap3A_224 = tpu.vector_load %arg8[%swap3A_222, %swap3A_223] {strides = array<i32>} : memref<32x512xf32, #tpu.memory_space<vmem>>, vector<16xf32>,
            tpu.vector_store %arg8[%swap3A_222, %swap3A_223], %add3A_221 {strides = array<i32>} : memref<32x512xf32, #tpu.memory_space<vmem>>, vector<16xf32>,
            %get3A_225 = arith.index_cast %scan3A_138 : i32 to index
            %get3A_226 = arith.constant 128 : index
            %get3A_227 = tpu.vector_load %arg8[%get3A_225, %get3A_226] {strides = array<i32>} : memref<32x512xf32, #tpu.memory_space<vmem>>, vector<16xf32>,
            %add3A_228 = arith.addf %get3A_227, %while3A_168#8 : vector<16xf32>
            %swap3A_229 = arith.index_cast %scan3A_138 : i32 to index
            %swap3A_230 = arith.constant 128 : index
            %swap3A_231 = tpu.vector_load %arg8[%swap3A_229, %swap3A_230] {strides = array<i32>} : memref<32x512xf32, #tpu.memory_space<vmem>>, vector<16xf32>,
            tpu.vector_store %arg8[%swap3A_229, %swap3A_230], %add3A_228 {strides = array<i32>} : memref<32x512xf32, #tpu.memory_space<vmem>>, vector<16xf32>,
            %get3A_232 = arith.index_cast %scan3A_138 : i32 to index
            %get3A_233 = arith.constant 144 : index
            %get3A_234 = tpu.vector_load %arg8[%get3A_232, %get3A_233] {strides = array<i32>} : memref<32x512xf32, #tpu.memory_space<vmem>>, vector<16xf32>,
            %add3A_235 = arith.addf %get3A_234, %while3A_168#9 : vector<16xf32>
            %swap3A_236 = arith.index_cast %scan3A_138 : i32 to index
            %swap3A_237 = arith.constant 144 : index
            %swap3A_238 = tpu.vector_load %arg8[%swap3A_236, %swap3A_237] {strides = array<i32>} : memref<32x512xf32, #tpu.memory_space<vmem>>, vector<16xf32>,
            tpu.vector_store %arg8[%swap3A_236, %swap3A_237], %add3A_235 {strides = array<i32>} : memref<32x512xf32, #tpu.memory_space<vmem>>, vector<16xf32>,
            %get3A_239 = arith.index_cast %scan3A_138 : i32 to index
            %get3A_240 = arith.constant 160 : index
            %get3A_241 = tpu.vector_load %arg8[%get3A_239, %get3A_240] {strides = array<i32>} : memref<32x512xf32, #tpu.memory_space<vmem>>, vector<16xf32>,
            %add3A_242 = arith.addf %get3A_241, %while3A_168#10 : vector<16xf32>
            %swap3A_243 = arith.index_cast %scan3A_138 : i32 to index
            %swap3A_244 = arith.constant 160 : index
            %swap3A_245 = tpu.vector_load %arg8[%swap3A_243, %swap3A_244] {strides = array<i32>} : memref<32x512xf32, #tpu.memory_space<vmem>>, vector<16xf32>,
            tpu.vector_store %arg8[%swap3A_243, %swap3A_244], %add3A_242 {strides = array<i32>} : memref<32x512xf32, #tpu.memory_space<vmem>>, vector<16xf32>,
            %get3A_246 = arith.index_cast %scan3A_138 : i32 to index
            %get3A_247 = arith.constant 176 : index
            %get3A_248 = tpu.vector_load %arg8[%get3A_246, %get3A_247] {strides = array<i32>} : memref<32x512xf32, #tpu.memory_space<vmem>>, vector<16xf32>,
            %add3A_249 = arith.addf %get3A_248, %while3A_168#11 : vector<16xf32>
            %swap3A_250 = arith.index_cast %scan3A_138 : i32 to index
            %swap3A_251 = arith.constant 176 : index
            %swap3A_252 = tpu.vector_load %arg8[%swap3A_250, %swap3A_251] {strides = array<i32>} : memref<32x512xf32, #tpu.memory_space<vmem>>, vector<16xf32>,
            tpu.vector_store %arg8[%swap3A_250, %swap3A_251], %add3A_249 {strides = array<i32>} : memref<32x512xf32, #tpu.memory_space<vmem>>, vector<16xf32>,
            %get3A_253 = arith.index_cast %scan3A_138 : i32 to index
            %get3A_254 = arith.constant 192 : index
            %get3A_255 = tpu.vector_load %arg8[%get3A_253, %get3A_254] {strides = array<i32>} : memref<32x512xf32, #tpu.memory_space<vmem>>, vector<16xf32>,
            %add3A_256 = arith.addf %get3A_255, %while3A_168#12 : vector<16xf32>
            %swap3A_257 = arith.index_cast %scan3A_138 : i32 to index
            %swap3A_258 = arith.constant 192 : index
            %swap3A_259 = tpu.vector_load %arg8[%swap3A_257, %swap3A_258] {strides = array<i32>} : memref<32x512xf32, #tpu.memory_space<vmem>>, vector<16xf32>,
            tpu.vector_store %arg8[%swap3A_257, %swap3A_258], %add3A_256 {strides = array<i32>} : memref<32x512xf32, #tpu.memory_space<vmem>>, vector<16xf32>,
            %get3A_260 = arith.index_cast %scan3A_138 : i32 to index
            %get3A_261 = arith.constant 208 : index
            %get3A_262 = tpu.vector_load %arg8[%get3A_260, %get3A_261] {strides = array<i32>} : memref<32x512xf32, #tpu.memory_space<vmem>>, vector<16xf32>,
            %add3A_263 = arith.addf %get3A_262, %while3A_168#13 : vector<16xf32>
            %swap3A_264 = arith.index_cast %scan3A_138 : i32 to index
            %swap3A_265 = arith.constant 208 : index
            %swap3A_266 = tpu.vector_load %arg8[%swap3A_264, %swap3A_265] {strides = array<i32>} : memref<32x512xf32, #tpu.memory_space<vmem>>, vector<16xf32>,
            tpu.vector_store %arg8[%swap3A_264, %swap3A_265], %add3A_263 {strides = array<i32>} : memref<32x512xf32, #tpu.memory_space<vmem>>, vector<16xf32>,
            %get3A_267 = arith.index_cast %scan3A_138 : i32 to index
            %get3A_268 = arith.constant 224 : index
            %get3A_269 = tpu.vector_load %arg8[%get3A_267, %get3A_268] {strides = array<i32>} : memref<32x512xf32, #tpu.memory_space<vmem>>, vector<16xf32>,
            %add3A_270 = arith.addf %get3A_269, %while3A_168#14 : vector<16xf32>
            %swap3A_271 = arith.index_cast %scan3A_138 : i32 to index
            %swap3A_272 = arith.constant 224 : index
            %swap3A_273 = tpu.vector_load %arg8[%swap3A_271, %swap3A_272] {strides = array<i32>} : memref<32x512xf32, #tpu.memory_space<vmem>>, vector<16xf32>,
            tpu.vector_store %arg8[%swap3A_271, %swap3A_272], %add3A_270 {strides = array<i32>} : memref<32x512xf32, #tpu.memory_space<vmem>>, vector<16xf32>,
            %get3A_274 = arith.index_cast %scan3A_138 : i32 to index
            %get3A_275 = arith.constant 240 : index
            %get3A_276 = tpu.vector_load %arg8[%get3A_274, %get3A_275] {strides = array<i32>} : memref<32x512xf32, #tpu.memory_space<vmem>>, vector<16xf32>,
            %add3A_277 = arith.addf %get3A_276, %while3A_168#15 : vector<16xf32>
            %swap3A_278 = arith.index_cast %scan3A_138 : i32 to index
            %swap3A_279 = arith.constant 240 : index
            %swap3A_280 = tpu.vector_load %arg8[%swap3A_278, %swap3A_279] {strides = array<i32>} : memref<32x512xf32, #tpu.memory_space<vmem>>, vector<16xf32>,
            tpu.vector_store %arg8[%swap3A_278, %swap3A_279], %add3A_277 {strides = array<i32>} : memref<32x512xf32, #tpu.memory_space<vmem>>, vector<16xf32>,
            %get3A_281 = arith.index_cast %scan3A_138 : i32 to index
            %get3A_282 = arith.constant 256 : index
            %get3A_283 = tpu.vector_load %arg8[%get3A_281, %get3A_282] {strides = array<i32>} : memref<32x512xf32, #tpu.memory_space<vmem>>, vector<16xf32>,
            %add3A_284 = arith.addf %get3A_283, %while3A_168#16 : vector<16xf32>
            %swap3A_285 = arith.index_cast %scan3A_138 : i32 to index
            %swap3A_286 = arith.constant 256 : index
            %swap3A_287 = tpu.vector_load %arg8[%swap3A_285, %swap3A_286] {strides = array<i32>} : memref<32x512xf32, #tpu.memory_space<vmem>>, vector<16xf32>,
            tpu.vector_store %arg8[%swap3A_285, %swap3A_286], %add3A_284 {strides = array<i32>} : memref<32x512xf32, #tpu.memory_space<vmem>>, vector<16xf32>,
            %get3A_288 = arith.index_cast %scan3A_138 : i32 to index
            %get3A_289 = arith.constant 272 : index
            %get3A_290 = tpu.vector_load %arg8[%get3A_288, %get3A_289] {strides = array<i32>} : memref<32x512xf32, #tpu.memory_space<vmem>>, vector<16xf32>,
            %add3A_291 = arith.addf %get3A_290, %while3A_168#17 : vector<16xf32>
            %swap3A_292 = arith.index_cast %scan3A_138 : i32 to index
            %swap3A_293 = arith.constant 272 : index
            %swap3A_294 = tpu.vector_load %arg8[%swap3A_292, %swap3A_293] {strides = array<i32>} : memref<32x512xf32, #tpu.memory_space<vmem>>, vector<16xf32>,
            tpu.vector_store %arg8[%swap3A_292, %swap3A_293], %add3A_291 {strides = array<i32>} : memref<32x512xf32, #tpu.memory_space<vmem>>, vector<16xf32>,
            %get3A_295 = arith.index_cast %scan3A_138 : i32 to index
            %get3A_296 = arith.constant 288 : index
            %get3A_297 = tpu.vector_load %arg8[%get3A_295, %get3A_296] {strides = array<i32>} : memref<32x512xf32, #tpu.memory_space<vmem>>, vector<16xf32>,
            %add3A_298 = arith.addf %get3A_297, %while3A_168#18 : vector<16xf32>
            %swap3A_299 = arith.index_cast %scan3A_138 : i32 to index
            %swap3A_300 = arith.constant 288 : index
            %swap3A_301 = tpu.vector_load %arg8[%swap3A_299, %swap3A_300] {strides = array<i32>} : memref<32x512xf32, #tpu.memory_space<vmem>>, vector<16xf32>,
            tpu.vector_store %arg8[%swap3A_299, %swap3A_300], %add3A_298 {strides = array<i32>} : memref<32x512xf32, #tpu.memory_space<vmem>>, vector<16xf32>,
            %get3A_302 = arith.index_cast %scan3A_138 : i32 to index
            %get3A_303 = arith.constant 304 : index
            %get3A_304 = tpu.vector_load %arg8[%get3A_302, %get3A_303] {strides = array<i32>} : memref<32x512xf32, #tpu.memory_space<vmem>>, vector<16xf32>,
            %add3A_305 = arith.addf %get3A_304, %while3A_168#19 : vector<16xf32>
            %swap3A_306 = arith.index_cast %scan3A_138 : i32 to index
            %swap3A_307 = arith.constant 304 : index
            %swap3A_308 = tpu.vector_load %arg8[%swap3A_306, %swap3A_307] {strides = array<i32>} : memref<32x512xf32, #tpu.memory_space<vmem>>, vector<16xf32>,
            tpu.vector_store %arg8[%swap3A_306, %swap3A_307], %add3A_305 {strides = array<i32>} : memref<32x512xf32, #tpu.memory_space<vmem>>, vector<16xf32>,
            %get3A_309 = arith.index_cast %scan3A_138 : i32 to index
            %get3A_310 = arith.constant 320 : index
            %get3A_311 = tpu.vector_load %arg8[%get3A_309, %get3A_310] {strides = array<i32>} : memref<32x512xf32, #tpu.memory_space<vmem>>, vector<16xf32>,
            %add3A_312 = arith.addf %get3A_311, %while3A_168#20 : vector<16xf32>
            %swap3A_313 = arith.index_cast %scan3A_138 : i32 to index
            %swap3A_314 = arith.constant 320 : index
            %swap3A_315 = tpu.vector_load %arg8[%swap3A_313, %swap3A_314] {strides = array<i32>} : memref<32x512xf32, #tpu.memory_space<vmem>>, vector<16xf32>,
            tpu.vector_store %arg8[%swap3A_313, %swap3A_314], %add3A_312 {strides = array<i32>} : memref<32x512xf32, #tpu.memory_space<vmem>>, vector<16xf32>,
            %get3A_316 = arith.index_cast %scan3A_138 : i32 to index
            %get3A_317 = arith.constant 336 : index
            %get3A_318 = tpu.vector_load %arg8[%get3A_316, %get3A_317] {strides = array<i32>} : memref<32x512xf32, #tpu.memory_space<vmem>>, vector<16xf32>,
            %add3A_319 = arith.addf %get3A_318, %while3A_168#21 : vector<16xf32>
            %swap3A_320 = arith.index_cast %scan3A_138 : i32 to index
            %swap3A_321 = arith.constant 336 : index
            %swap3A_322 = tpu.vector_load %arg8[%swap3A_320, %swap3A_321] {strides = array<i32>} : memref<32x512xf32, #tpu.memory_space<vmem>>, vector<16xf32>,
            tpu.vector_store %arg8[%swap3A_320, %swap3A_321], %add3A_319 {strides = array<i32>} : memref<32x512xf32, #tpu.memory_space<vmem>>, vector<16xf32>,
            %get3A_323 = arith.index_cast %scan3A_138 : i32 to index
            %get3A_324 = arith.constant 352 : index
            %get3A_325 = tpu.vector_load %arg8[%get3A_323, %get3A_324] {strides = array<i32>} : memref<32x512xf32, #tpu.memory_space<vmem>>, vector<16xf32>,
            %add3A_326 = arith.addf %get3A_325, %while3A_168#22 : vector<16xf32>
            %swap3A_327 = arith.index_cast %scan3A_138 : i32 to index
            %swap3A_328 = arith.constant 352 : index
            %swap3A_329 = tpu.vector_load %arg8[%swap3A_327, %swap3A_328] {strides = array<i32>} : memref<32x512xf32, #tpu.memory_space<vmem>>, vector<16xf32>,
            tpu.vector_store %arg8[%swap3A_327, %swap3A_328], %add3A_326 {strides = array<i32>} : memref<32x512xf32, #tpu.memory_space<vmem>>, vector<16xf32>,
            %get3A_330 = arith.index_cast %scan3A_138 : i32 to index
            %get3A_331 = arith.constant 368 : index
            %get3A_332 = tpu.vector_load %arg8[%get3A_330, %get3A_331] {strides = array<i32>} : memref<32x512xf32, #tpu.memory_space<vmem>>, vector<16xf32>,
            %add3A_333 = arith.addf %get3A_332, %while3A_168#23 : vector<16xf32>
            %swap3A_334 = arith.index_cast %scan3A_138 : i32 to index
            %swap3A_335 = arith.constant 368 : index
            %swap3A_336 = tpu.vector_load %arg8[%swap3A_334, %swap3A_335] {strides = array<i32>} : memref<32x512xf32, #tpu.memory_space<vmem>>, vector<16xf32>,
            tpu.vector_store %arg8[%swap3A_334, %swap3A_335], %add3A_333 {strides = array<i32>} : memref<32x512xf32, #tpu.memory_space<vmem>>, vector<16xf32>,
            %get3A_337 = arith.index_cast %scan3A_138 : i32 to index
            %get3A_338 = arith.constant 384 : index
            %get3A_339 = tpu.vector_load %arg8[%get3A_337, %get3A_338] {strides = array<i32>} : memref<32x512xf32, #tpu.memory_space<vmem>>, vector<16xf32>,
            %add3A_340 = arith.addf %get3A_339, %while3A_168#24 : vector<16xf32>
            %swap3A_341 = arith.index_cast %scan3A_138 : i32 to index
            %swap3A_342 = arith.constant 384 : index
            %swap3A_343 = tpu.vector_load %arg8[%swap3A_341, %swap3A_342] {strides = array<i32>} : memref<32x512xf32, #tpu.memory_space<vmem>>, vector<16xf32>,
            tpu.vector_store %arg8[%swap3A_341, %swap3A_342], %add3A_340 {strides = array<i32>} : memref<32x512xf32, #tpu.memory_space<vmem>>, vector<16xf32>,
            %get3A_344 = arith.index_cast %scan3A_138 : i32 to index
            %get3A_345 = arith.constant 400 : index
            %get3A_346 = tpu.vector_load %arg8[%get3A_344, %get3A_345] {strides = array<i32>} : memref<32x512xf32, #tpu.memory_space<vmem>>, vector<16xf32>,
            %add3A_347 = arith.addf %get3A_346, %while3A_168#25 : vector<16xf32>
            %swap3A_348 = arith.index_cast %scan3A_138 : i32 to index
            %swap3A_349 = arith.constant 400 : index
            %swap3A_350 = tpu.vector_load %arg8[%swap3A_348, %swap3A_349] {strides = array<i32>} : memref<32x512xf32, #tpu.memory_space<vmem>>, vector<16xf32>,
            tpu.vector_store %arg8[%swap3A_348, %swap3A_349], %add3A_347 {strides = array<i32>} : memref<32x512xf32, #tpu.memory_space<vmem>>, vector<16xf32>,
            %get3A_351 = arith.index_cast %scan3A_138 : i32 to index
            %get3A_352 = arith.constant 416 : index
            %get3A_353 = tpu.vector_load %arg8[%get3A_351, %get3A_352] {strides = array<i32>} : memref<32x512xf32, #tpu.memory_space<vmem>>, vector<16xf32>,
            %add3A_354 = arith.addf %get3A_353, %while3A_168#26 : vector<16xf32>
            %swap3A_355 = arith.index_cast %scan3A_138 : i32 to index
            %swap3A_356 = arith.constant 416 : index
            %swap3A_357 = tpu.vector_load %arg8[%swap3A_355, %swap3A_356] {strides = array<i32>} : memref<32x512xf32, #tpu.memory_space<vmem>>, vector<16xf32>,
            tpu.vector_store %arg8[%swap3A_355, %swap3A_356], %add3A_354 {strides = array<i32>} : memref<32x512xf32, #tpu.memory_space<vmem>>, vector<16xf32>,
            %get3A_358 = arith.index_cast %scan3A_138 : i32 to index
            %get3A_359 = arith.constant 432 : index
            %get3A_360 = tpu.vector_load %arg8[%get3A_358, %get3A_359] {strides = array<i32>} : memref<32x512xf32, #tpu.memory_space<vmem>>, vector<16xf32>,
            %add3A_361 = arith.addf %get3A_360, %while3A_168#27 : vector<16xf32>
            %swap3A_362 = arith.index_cast %scan3A_138 : i32 to index
            %swap3A_363 = arith.constant 432 : index
            %swap3A_364 = tpu.vector_load %arg8[%swap3A_362, %swap3A_363] {strides = array<i32>} : memref<32x512xf32, #tpu.memory_space<vmem>>, vector<16xf32>,
            tpu.vector_store %arg8[%swap3A_362, %swap3A_363], %add3A_361 {strides = array<i32>} : memref<32x512xf32, #tpu.memory_space<vmem>>, vector<16xf32>,
            %get3A_365 = arith.index_cast %scan3A_138 : i32 to index
            %get3A_366 = arith.constant 448 : index
            %get3A_367 = tpu.vector_load %arg8[%get3A_365, %get3A_366] {strides = array<i32>} : memref<32x512xf32, #tpu.memory_space<vmem>>, vector<16xf32>,
            %add3A_368 = arith.addf %get3A_367, %while3A_168#28 : vector<16xf32>
            %swap3A_369 = arith.index_cast %scan3A_138 : i32 to index
            %swap3A_370 = arith.constant 448 : index
            %swap3A_371 = tpu.vector_load %arg8[%swap3A_369, %swap3A_370] {strides = array<i32>} : memref<32x512xf32, #tpu.memory_space<vmem>>, vector<16xf32>,
            tpu.vector_store %arg8[%swap3A_369, %swap3A_370], %add3A_368 {strides = array<i32>} : memref<32x512xf32, #tpu.memory_space<vmem>>, vector<16xf32>,
            %get3A_372 = arith.index_cast %scan3A_138 : i32 to index
            %get3A_373 = arith.constant 464 : index
            %get3A_374 = tpu.vector_load %arg8[%get3A_372, %get3A_373] {strides = array<i32>} : memref<32x512xf32, #tpu.memory_space<vmem>>, vector<16xf32>,
            %add3A_375 = arith.addf %get3A_374, %while3A_168#29 : vector<16xf32>
            %swap3A_376 = arith.index_cast %scan3A_138 : i32 to index
            %swap3A_377 = arith.constant 464 : index
            %swap3A_378 = tpu.vector_load %arg8[%swap3A_376, %swap3A_377] {strides = array<i32>} : memref<32x512xf32, #tpu.memory_space<vmem>>, vector<16xf32>,
            tpu.vector_store %arg8[%swap3A_376, %swap3A_377], %add3A_375 {strides = array<i32>} : memref<32x512xf32, #tpu.memory_space<vmem>>, vector<16xf32>,
            %get3A_379 = arith.index_cast %scan3A_138 : i32 to index
            %get3A_380 = arith.constant 480 : index
            %get3A_381 = tpu.vector_load %arg8[%get3A_379, %get3A_380] {strides = array<i32>} : memref<32x512xf32, #tpu.memory_space<vmem>>, vector<16xf32>,
            %add3A_382 = arith.addf %get3A_381, %while3A_168#30 : vector<16xf32>
            %swap3A_383 = arith.index_cast %scan3A_138 : i32 to index
            %swap3A_384 = arith.constant 480 : index
            %swap3A_385 = tpu.vector_load %arg8[%swap3A_383, %swap3A_384] {strides = array<i32>} : memref<32x512xf32, #tpu.memory_space<vmem>>, vector<16xf32>,
            tpu.vector_store %arg8[%swap3A_383, %swap3A_384], %add3A_382 {strides = array<i32>} : memref<32x512xf32, #tpu.memory_space<vmem>>, vector<16xf32>,
            %get3A_386 = arith.index_cast %scan3A_138 : i32 to index
            %get3A_387 = arith.constant 496 : index
            %get3A_388 = tpu.vector_load %arg8[%get3A_386, %get3A_387] {strides = array<i32>} : memref<32x512xf32, #tpu.memory_space<vmem>>, vector<16xf32>,
            %add3A_389 = arith.addf %get3A_388, %while3A_168#31 : vector<16xf32>
            %swap3A_390 = arith.index_cast %scan3A_138 : i32 to index
            %swap3A_391 = arith.constant 496 : index
            %swap3A_392 = tpu.vector_load %arg8[%swap3A_390, %swap3A_391] {strides = array<i32>} : memref<32x512xf32, #tpu.memory_space<vmem>>, vector<16xf32>,
            tpu.vector_store %arg8[%swap3A_390, %swap3A_391], %add3A_389 {strides = array<i32>} : memref<32x512xf32, #tpu.memory_space<vmem>>, vector<16xf32>,
          } else {
          }
        }
        %scan3A_137 = arith.constant 32 : i32
      } else {
      }
      %select_n3A_131 = arith.select %lt3A, %min3A_129, %while3A_123 : i32
      scf.yield %select_n3A_131 : i32
    }
    "tpu.region"() ({
      %run_scoped3A = tpu.sem_alloc : memref<!tpu.dma_semaphore, #tpu.memory_space<semaphore_mem>>
      %dma_start3A = arith.constant 0 : i32
      %dma_start3A_122 = tpu.memref_slice %arg4[%mul3A_2, %dma_start3A] : memref<1024x512xf32, #tpu.memory_space<hbm>> -> memref<32x512xf32, #tpu.memory_space<hbm>>
      %dma_start3A_123 = arith.constant 0 : i32
      %dma_start3A_124 = tpu.memref_slice %arg4[%mul3A_2, %dma_start3A_123] : memref<1024x512xf32, #tpu.memory_space<hbm>> -> memref<32x512xf32, #tpu.memory_space<hbm>>
      tpu.enqueue_dma source(%arg8 : memref<32x512xf32, #tpu.memory_space<vmem>>) target(%dma_start3A_124 : memref<32x512xf32, #tpu.memory_space<hbm>>) target_semaphore(%run_scoped3A : memref<!tpu.dma_semaphore, #tpu.memory_space<semaphore_mem>>)
      %dma_wait3A = arith.constant 0 : i32
      %dma_wait3A_125 = tpu.memref_slice %arg4[%mul3A_2, %dma_wait3A] : memref<1024x512xf32, #tpu.memory_space<hbm>> -> memref<32x512xf32, #tpu.memory_space<hbm>>
      %dma_wait3A_126 = arith.constant 0 : i32
      %dma_wait3A_127 = tpu.memref_slice %arg4[%mul3A_2, %dma_wait3A_126] : memref<1024x512xf32, #tpu.memory_space<hbm>> -> memref<32x512xf32, #tpu.memory_space<hbm>>
      tpu.wait_dma2 semaphore(%run_scoped3A : memref<!tpu.dma_semaphore, #tpu.memory_space<semaphore_mem>>) src(%arg8 : memref<32x512xf32, #tpu.memory_space<vmem>>) dst(%dma_wait3A_127 : memref<32x512xf32, #tpu.memory_space<hbm>>)
      tpu.yield
    }) : () -> ()
    return
  }
}

</mosaic_0001>

<sc_bundles>
// kernel: kernel.3.cloned.1.call-start
scs
__scs_entry_jumppad:
0x0: {  	(pc) =	sbr.rel $0x88, $3  }
0x1: {  	(tag) =	ssettag $0x0;
	lr =	simm.s32 $0x1  }
0x2: {  	[smem:$0x3F9F] =	sst lr;
	_ =	strace $0xD0000000  }
0x3: {  	_ = 	snop  }
0x4: {  	_ = 	snop  }
0x5: {  	_ = 	snop  }
0x6: {  	_ = 	snop  }
0x7: {  	_ = 	snop  }
__scs_overlays_trampoline_lowered:
0x8: {  	[smem:$0x3FAE] =	sst s0  }
0x9: {  	[smem:$0x3FAF] =	sst s1  }
0xa: {  	[smem:$0x3FB0] =	sst s2  }
0xb: {  	[smem:$0x3FB1] =	sst s3  }
0xc: {  	[smem:$0x3FB2] =	sst s4  }
0xd: {  	[smem:$0x3FB3] =	sst s5  }
0xe: {  	[smem:$0x3FB4] =	sst s6  }
0xf: {  	[smem:$0x3FB5] =	sst s7  }
0x10: {  	[smem:$0x3FB6] =	sst s8  }
0x11: {  	[smem:$0x3FB7] =	sst s9;
	s0 =	simm.s32 @!p0 $0x0  }
0x12: {  	s1 =	sld [smem:$0x3F9D];
	s0 =	simm.s32 @p0 $0x1  }
0x13: {  	[smem:$0x3FB8] =	sst s0;
	s0 =	simm.s32 @!p1 $0x0  }
0x14: {  	s2 =	sld [smem:$0x3F9C];
	s0 =	simm.s32 @p1 $0x1  }
0x15: {  	[smem:$0x3FB9] =	sst s0;
	s0 =	simm.s32 @!p2 $0x0  }
0x16: {  	s3 =	sld [smem:$0x3FDB];
	s0 =	simm.s32 @p2 $0x1  }
0x17: {  	s4 =	simm.s32 $0x1BF5;
	[smem:$0x3FBB] =	sst s0  }
0x18: {  	s0 =	sld [smem:$0x3F9E];
	_ =	swait.ge [sflag:s4], $0x0  }
0x19: {  	s7 =	sld [smem:$0x3F9F]  }
0x1a: {  	s8 =	sadd.s32 $0xFFFFE003, lr  }
0x1b: {  	s9 =	sadd.s32 $0xFFFFFEF7, lr;
	s5 =	simm.s32 $0xFFFFFFFF;
	p2 =	slt.u32 s8, $0xFFFFF086  }
0x1c: {  	p1 =	slt.u32 s9, $0xF7A;
	s5 =	simm.s32 @!p2 $0x0  }
0x1d: {  	s5 =	simm.s32 @p1 $0x1;
	p0 =	seq.s32 s7, s2  }
0x1e: {  	s7 =	smul.u32 @!p0 $0xF7A, s2;
	p2 =	seq.s32 @!p0 s5, $0x0  }
0x1f: {  	s9 =	smul.u32 $0xF7A, s1;
	s8 =	simm.s32 @!p0 $0x1BF5;
	p2 =	por !p2, p0  }
0x20: {  	[sflag:s8] =	ssyncset.s32 @!p0 $0xFFFFF086;
	s6 =	sadd.s32 @!p0 s3, s7;
	s7 =	simm.s32 @!p0 $0x108  }
0x21: {  	s3 =	sadd.s32 s3, s9;
	s6 =	sadd.s32 @!p0 $0x88, s6;
	s7 =	simm.s32 @p2 $0x1082  }
0x22: {  	[simem:s7], [sflag:s8] =	dma.local @!p0 [hbm:s6], $0xF7A  }
0x23: {  	s9 =	sor.u32 $0xD0000000, s2;
	s6 =	simm.s32 $0x108;
	_ =	swait.ge @!p0 [sflag:s8], $0x0  }
0x24: {  	s3 =	sadd.s32 $0x88, s3;
	s6 =	simm.s32 @!p1 $0x1082;
	[sflag:s4] =	ssyncset.s32 $0xFFFFF086  }
0x25: {  	[simem:s6], [sflag:s4] =	dma.local [hbm:s3], $0xF7A  }
0x26: {  	[smem:$0x3F9F] =	sst s1;
	(tag) =	ssettag s2;
	_ =	strace s9  }
0x27: {  	s1 =	sld [smem:$0x3FAF]  }
0x28: {  	s2 =	sld [smem:$0x3FB0]  }
0x29: {  	s4 =	sld [smem:$0x3FB2]  }
0x2a: {  	p0 =	seq.s32 s5, $0x0;
	s5 =	sld [smem:$0x3FB3]  }
0x2b: {  	s6 =	sld [smem:$0x3FB4]  }
0x2c: {  	s7 =	sld [smem:$0x3FB5]  }
0x2d: {  	s3 =	simm.s32 $0x108;
	s8 =	sld [smem:$0x3FB6]  }
0x2e: {  	s3 =	simm.s32 @!p0 $0x1082;
	s9 =	sld [smem:$0x3FB7]  }
0x2f: {  	lr =	sadd.s32 s0, s3;
	s0 =	sld [smem:$0x3FAE]  }
0x30: {  	s3 =	sld [smem:$0x3FB1]  }
0x31: {  	[smem:$0x3FBA] =	sst s10  }
0x32: {  	s10 =	sld [smem:$0x3FB8];
	_ =	sdelay $0x3  }
0x33: {  	p0 =	seq.s32 s10, $0x1;
	s10 =	sld [smem:$0x3FBA];
	_ =	sdelay $0x3  }
0x34: {  	[smem:$0x3FBA] =	sst s10  }
0x35: {  	s10 =	sld [smem:$0x3FB9];
	_ =	sdelay $0x3  }
0x36: {  	p1 =	seq.s32 s10, $0x1;
	s10 =	sld [smem:$0x3FBA];
	_ =	sdelay $0x3  }
0x37: {  	[smem:$0x3FBA] =	sst s10  }
0x38: {  	s10 =	sld [smem:$0x3FBB]  }
0x39: {  	_ = 	snop;
	(pc) =	sbr.ind lr, $3  }
0x3a: {  	_ = 	snop  }
0x3b: {  	_ = 	snop  }
0x3c: {  	p2 =	seq.s32 s10, $0x1;
	s10 =	sld [smem:$0x3FBA]  }
0x3d: {  	_ =	shalt  }
0x3e: {  	_ =	shalt  }
0x3f: {  	_ =	shalt  }
0x40: {  	_ =	shalt  }
0x41: {  	_ =	shalt  }
0x42: {  	_ =	shalt  }
0x43: {  	_ =	shalt  }
0x44: {  	_ =	shalt  }
0x45: {  	_ =	shalt  }
0x46: {  	_ =	shalt  }
0x47: {  	_ =	shalt  }
0x48: {  	_ =	shalt  }
0x49: {  	_ =	shalt  }
0x4a: {  	_ =	shalt  }
0x4b: {  	_ =	shalt  }
0x4c: {  	_ =	shalt  }
0x4d: {  	_ =	shalt  }
0x4e: {  	_ =	shalt  }
0x4f: {  	_ =	shalt  }
0x50: {  	_ =	shalt  }
0x51: {  	_ =	shalt  }
0x52: {  	_ =	shalt  }
0x53: {  	_ =	shalt  }
0x54: {  	_ =	shalt  }
0x55: {  	_ =	shalt  }
0x56: {  	_ =	shalt  }
0x57: {  	_ =	shalt  }
0x58: {  	_ =	shalt  }
0x59: {  	_ =	shalt  }
0x5a: {  	_ =	shalt  }
0x5b: {  	_ =	shalt  }
0x5c: {  	_ =	shalt  }
0x5d: {  	_ =	shalt  }
0x5e: {  	_ =	shalt  }
0x5f: {  	_ =	shalt  }
0x60: {  	_ =	shalt  }
0x61: {  	_ =	shalt  }
0x62: {  	_ =	shalt  }
0x63: {  	_ =	shalt  }
0x64: {  	_ =	shalt  }
0x65: {  	_ =	shalt  }
0x66: {  	_ =	shalt  }
0x67: {  	_ =	shalt  }
0x68: {  	_ =	shalt  }
0x69: {  	_ =	shalt  }
0x6a: {  	_ =	shalt  }
0x6b: {  	_ =	shalt  }
0x6c: {  	_ =	shalt  }
0x6d: {  	_ =	shalt  }
0x6e: {  	_ =	shalt  }
0x6f: {  	_ =	shalt  }
0x70: {  	_ =	shalt  }
0x71: {  	_ =	shalt  }
0x72: {  	_ =	shalt  }
0x73: {  	_ =	shalt  }
0x74: {  	_ =	shalt  }
0x75: {  	_ =	shalt  }
0x76: {  	_ =	shalt  }
0x77: {  	_ =	shalt  }
0x78: {  	_ =	shalt  }
0x79: {  	_ =	shalt  }
0x7a: {  	_ =	shalt  }
0x7b: {  	_ =	shalt  }
0x7c: {  	_ =	shalt  }
0x7d: {  	_ =	shalt  }
0x7e: {  	_ =	shalt  }
0x7f: {  	_ =	shalt  }
0x80: {  	_ =	shalt  }
0x81: {  	_ =	shalt  }
0x82: {  	_ =	shalt  }
0x83: {  	_ =	shalt  }
0x84: {  	_ =	shalt  }
0x85: {  	_ =	shalt  }
0x86: {  	_ =	shalt  }
0x87: {  	_ =	shalt  }
.Lfunc_end0:
.L_simem_size_0:
called_computation_lowered:
.L_overlay_start_0:
0x88: {  	s2 =	sld [smem:$0x3FD9]  }
0x89: {  	s3 =	sld [smem:$0x3FFE];
	_ =	sdelay $0x1  }
0x8a: {  	s1 =	srdreg.scid  }
0x8b: {  	s0 =	sand.u32 $0x1, s1  }
0x8c: {  	s18 =	sshll.u32 s0, $0xA;
	s2 =	sadd.s32 s3, s2  }
0x8d: {  	s2 =	sadd.s32 s2, s18  }
0x8e: {  	[smem:$0x3FC6] =	sst s2  }
0x8f: {  	_ = 	snop  }
0x90: {  	s2 =	sld [smem:$0x3FC9]  }
0x91: {  	s19 =	sld [smem:$0x3FC8]  }
0x92: {  	s4 =	sld [smem:$0x3FD0];
	(tm) =	ssettm $0x1  }
0x93: {  	s5 =	sld [smem:$0x3FFB];
	_ =	sdelay $0x3  }
0x94: {  	_ =	strace s5  }
0x95: {  	s5 =	sld [smem:$0x3FFC];
	_ =	sdelay $0x3  }
0x96: {  	_ =	strace s5  }
0x97: {  	s5 =	sld [smem:$0x3FFD];
	_ =	sdelay $0x3  }
0x98: {  	_ =	strace s5  }
0x99: {  	_ =	strace $0x8FFFFFFF  }
0x9a: {  	s20 =	sld [smem:$0x3FDB];
	_ =	sdelay $0x1  }
0x9b: {  	s6 =	simm.s32 $_scs_section_size  }
0x9c: {  	s7 =	simm.s32 $_size__tile_overlayer_lowered;
	s8 =	simm.s32 $_tile_overlayer_lowered  }
0x9d: {  	s23 =	simm.s32 $0x1BFF;
	s22 =	sshll.u32 s8, $0x1;
	s5 =	sadd.s32 s6, s20  }
0x9e: {  	s9 =	simm.s32 $0x0;
	s21 =	sshll.u32 s7, $0x1;
	s7 =	sadd.s32 s22, s5  }
0x9f: {  	[timem:s9], [sflag:s23] =	dma.local [hbm:s7], s21  }
0xa0: {  	_ =	swait.ge [sflag:s23], s21  }
0xa1: {  	s6 =	ssub.s32 $0x0, s21;
	[sflag:s23] =	ssyncset.done $0x0  }
0xa2: {  	[sflag:s23] =	ssyncadd.s32 s6;
	_ =	sdelay $0x1  }
0xa3: {  	s24 =	simm.s32 $0x1B8B  }
0xa4: {  	_ =	swait.ge [sflag:s24], $0x1  }
0xa5: {  	[sflag:s24] =	ssyncset.done $0x0  }
0xa6: {  	s25 =	simm.s32 $0x1B8E;
	[sflag:s24] =	ssyncadd.s32 $0xFFFFFFFF  }
0xa7: {  	s26 =	simm.s32 $execute0_lowered;
	[smem:$0x3FD2] =	sst s25  }
0xa8: {  	s6 =	sshll.u32 s26, $0x1;
	_ =	strace $0x80000046;
	[dreg:$0x1] =	wrdreg $0xFFFFFFFF  }
0xa9: {  	s28 =	simm.s32 $_size_execute0_lowered;
	s5 =	sadd.s32 s5, s6;
	[dreg:$0x0] =	wrdreg $0x0  }
0xaa: {  	s6 =	sshll.u32 s28, $0x1;
	[dreg:$0x2] =	wrdreg s5  }
0xab: {  	[dreg:$0x3] =	wrdreg s6  }
0xac: {  	[dreg:$0x4] =	wrdreg $0xC0  }
0xad: {  	_ =	task [dreg:s9], $0x5FFFF  }
0xae: {  	[dreg:$0x1] =	wrdreg $0xFFFFFFFF  }
0xaf: {  	[dreg:$0x0] =	wrdreg $0x60  }
0xb0: {  	[dreg:$0x2] =	wrdreg s2  }
0xb1: {  	[dreg:$0x3] =	wrdreg s19  }
0xb2: {  	[dreg:$0x4] =	wrdreg s4  }
0xb3: {  	[dreg:$0x5] =	wrdreg $0x9  }
0xb4: {  	_ =	task.clear_ibuf [dreg:s9], $0x6FFFF;
	_ =	strace $0x90000046  }
0xb5: {  	s29 =	simm.s32 $0x9;
	_ =	strace $0x80000048  }
0xb6: {  	_ =	swait.ge [sflag:s29], $0x1  }
0xb7: {  	[sflag:s29] =	ssyncadd.s32 $0xFFFFFFFF  }
0xb8: {  	_ =	strace $0x90000048  }
0xb9: {  	_ =	sfence  }
0xba: {  	s30 =	sld [smem:$0x0];
	_ =	sdelay $0x2  }
0xbb: {  	s31 =	sshll.u32 s1, $0xD;
	s1 =	sshrl.u32 s1, $0x2  }
0xbc: {  	s3 =	sand.u32 $0x4000, s31;
	s1 =	sadd.s32 s1, s30  }
0xbd: {  	s0 =	sor.u32 s3, s0;
	s1 =	sshll.u32 s1, $0x11  }
0xbe: {  	s0 =	sor.u32 s1, s0  }
0xbf: {  	s0 =	sadd.s32 $0x8F2B, s0  }
0xc0: {  	[sflag:s0] =	ssyncadd.remote.s32 $0x1  }
0xc1: {  	_ =	sfence.sel $0xFFFF  }
0xc2: {  	[dreg:$0x0] =	wrdreg $0xFFFFFFFF;
	(pc) =	sbr.abs _section_cstart, $3  }
0xc3: {  	[dreg:$0x1] =	wrdreg $0xFFFFFFFF  }
0xc4: {  	_ =	task.clear_ibuf [dreg:s9], $0x2FFFF;
	_ =	strace $0x9FFFFFFF  }
0xc5: {  	(tm) =	ssettm $0x7FFFFFFF  }
tec
execute0_lowered:
.L_overlay_start_1:
0x0: {  	(tag) =	ssettag $0x1  }
0x1: {  	s1 =	rddreg [dreg:$0x0]  }
0x2: {  	s2 =	rddreg [dreg:$0x1]  }
0x3: {  	s7 =	rddreg [dreg:$0x2]  }
0x4: {  	s0 =	rddreg [dreg:$0x3];
	s5 =	srdreg.scid;
	s4 =	simm.s32 $0x0  }
0x5: {  	s3 =	stileid.u32;
	s10 =	simm.s32 $0x8000;
	s11 =	simm.s32 $0x0  }
.Ltmp0:
0x6: {  	s5 =	sand.u32 $0x1, s5;
	s8 =	sshll.u32 s3, $0x5;
	(pc) =	sbr.rel .LBB2_1-.Ltmp0, $4  }
0x7: {  	[smem:$0x7FF] =	sst s4;
	s6 =	ssub.s32 $0x2, s5;
	s5 =	sshll.u32 s5, $0x9  }
0x8: {  	_ =	strace $0x80000047;
	s9 =	sshrl.u32 s6, $0x1;
	s5 =	sor.u32 s8, s5  }
0x9: {  	s30 =	ssub.s32 s6, s9;
	s31 =	sshll.u32 s5, $0x6;
	s6 =	sadd.s32 $0x2AC4, s2  }
0xa: {  	v0 =	vimm.s32 $0x0;
	v1 =	vimm.f32 $0.0e+00;
	s9 =	simm.s32 $0x1;
	s7 =	sadd.s32 s7, s31;
	s8 =	smax.u32 s30, $0x1  }
.LBB2_22:
0xb: {  	s11 =	sadd.s32 $0x1, s11  }
0xc: {  	p0 =	sne.s32 s11, s8  }
.Ltmp1:
0xd: {  	_ = 	snop;
	(pc) =	sbr.rel @!p0 .LBB2_23-.Ltmp1, $4  }
0xe: {  	[hbm4b:s7+s4] =	stream.linear.scatter [tilespmem:s10], [sflag:$0x1], $0x4000, $0x38;
	[tilespmem:$0xF380] =	vst v63  }
0xf: {  	_ =	swait.ge [sflag:s9], $0x4000  }
0x10: {  	[sflag:s9] =	ssyncset.done $0x0  }
0x11: {  	[sflag:s9] =	ssyncadd.s32 $0xFFFFC000  }
.LBB2_1:
0x12: {  	[tilespmem:$0xF100] =	vst v0  }
0x13: {  	[tilespmem:$0xF110] =	vst v0  }
0x14: {  	[tilespmem:$0xF120] =	vst v0  }
0x15: {  	[tilespmem:$0xF130] =	vst v0  }
0x16: {  	[tilespmem:$0xF140] =	vst v0  }
0x17: {  	[tilespmem:$0xF150] =	vst v0  }
0x18: {  	[tilespmem:$0xF160] =	vst v0  }
0x19: {  	[tilespmem:$0xF170] =	vst v0  }
0x1a: {  	[tilespmem:$0xF180] =	vst v0  }
0x1b: {  	[tilespmem:$0xF190] =	vst v0  }
0x1c: {  	[tilespmem:$0xF1A0] =	vst v0  }
0x1d: {  	[tilespmem:$0xF1B0] =	vst v0  }
0x1e: {  	[tilespmem:$0xF1C0] =	vst v0  }
0x1f: {  	[tilespmem:$0xF1D0] =	vst v0  }
0x20: {  	[tilespmem:$0xF1E0] =	vst v0  }
0x21: {  	[tilespmem:$0xF1F0] =	vst v0  }
0x22: {  	[tilespmem:$0xF200] =	vst v0  }
0x23: {  	[tilespmem:$0xF210] =	vst v0  }
0x24: {  	[tilespmem:$0xF220] =	vst v0  }
0x25: {  	[tilespmem:$0xF230] =	vst v0  }
0x26: {  	[tilespmem:$0xF240] =	vst v0  }
0x27: {  	[tilespmem:$0xF250] =	vst v0  }
0x28: {  	[tilespmem:$0xF260] =	vst v0  }
0x29: {  	[tilespmem:$0xF270] =	vst v0  }
0x2a: {  	[tilespmem:$0xF280] =	vst v0  }
0x2b: {  	[tilespmem:$0xF290] =	vst v0  }
0x2c: {  	[tilespmem:$0xF2A0] =	vst v0  }
0x2d: {  	[tilespmem:$0xF2B0] =	vst v0  }
.Ltmp2:
0x2e: {  	[tilespmem:$0xF2C0] =	vst v0;
	(pc) =	sbr.rel .LBB2_2-.Ltmp2, $4  }
0x2f: {  	[tilespmem:$0xF2D0] =	vst v0  }
0x30: {  	[tilespmem:$0xF2E0] =	vst v0  }
0x31: {  	[tilespmem:$0xF2F0] =	vst v0  }
0x32: {  	[tilespmem:$0xF300] =	vst v0;
	s12 =	simm.s32 $0x0  }
.LBB2_8:
0x33: {  	s12 =	sadd.s32 $0x1, s12  }
0x34: {  	p0 =	sne.s32 s12, $0x8  }
.Ltmp3:
0x35: {  	_ = 	snop;
	(pc) =	sbr.rel @!p0 .LBB2_9-.Ltmp3, $1  }
0x36: {  	_ =	sdelay $0x3  }
.LBB2_2:
0x37: {  	p0 =	seq.s32 s12, $0x7  }
0x38: {  	s13 =	simm.s32 @p0 $0x0;
	s14 =	simm.s32 @p0 $0xC000  }
0x39: {  	[tilespmem:s14], [sflag:$0x1] =	stream.linear.gather @p0 [hbm4b:s6+s13], $0x3080, $0x38;
	[tilespmem:$0xF380] =	vst v63  }
0x3a: {  	s13 =	simm.s32 @p0 $0x1  }
0x3b: {  	_ =	swait.ge @p0 [sflag:s13], $0x3080  }
0x3c: {  	[sflag:s13] =	ssyncset.done @p0 $0x0  }
0x3d: {  	v2 =	vimm.s32 @p0 $0x800;
	[sflag:s13] =	ssyncadd.s32 @p0 $0xFFFFCF80  }
0x3e: {  	[tilespmem:$0xF080] =	vst @p0 v2  }
0x3f: {  	[tilespmem:$0xF090] =	vst @p0 v2  }
0x40: {  	[tilespmem:$0xF0A0] =	vst @p0 v2  }
0x41: {  	s13 =	smul.u32 @!p0 $0x61C, s12;
	[tilespmem:$0xF0B0] =	vst @p0 v2  }
0x42: {  	[tilespmem:$0xF0C0] =	vst @p0 v2  }
0x43: {  	s15 =	simm.s32 @!p0 $0xC000;
	s14 =	simm.s32 @!p0 $0x0;
	[tilespmem:$0xF0D0] =	vst @p0 v2;
	s13 =	sadd.s32 @!p0 s2, s13  }
0x44: {  	[tilespmem:s15], [sflag:$0x1] =	stream.linear.gather @!p0 [hbm4b:s13+s14], $0x30E0, $0x38;
	[tilespmem:$0xF380] =	vst v63  }
0x45: {  	s13 =	simm.s32 @!p0 $0x1  }
0x46: {  	_ =	swait.ge @!p0 [sflag:s13], $0x30E0  }
0x47: {  	[sflag:s13] =	ssyncset.done @!p0 $0x0  }
0x48: {  	[sflag:s13] =	ssyncadd.s32 @!p0 $0xFFFFCF20  }
0x49: {  	v2 =	vld [tilespmem:$0xC000]  }
0x4a: {  	v3 =	vld [tilespmem:$0xF0D0]  }
0x4b: {  	v4 =	vld [tilespmem:$0xF070];
	_ =	sdelay $0x2  }
0x4c: {  	(v2sf) =	vpush v2, $0x0  }
0x4d: {  	(v2sf) =	vpush v3, $0xF  }
0x4e: {  	(v2sf) =	vpush v4, $0xF;
	_ =	sdelay $0xb  }
.Ltmp4:
0x4f: {  	_ = 	snop;
	(pc) =	sbr.rel .LBB2_3-.Ltmp4, $4  }
0x50: {  	s13 =	spop (v2sf)  }
0x51: {  	s14 =	spop (v2sf)  }
0x52: {  	s15 =	simm.s32 @!p0 $0x30E0;
	s16 =	spop (v2sf)  }
0x53: {  	s15 =	simm.s32 @p0 $0x3080;
	s14 =	smov.u32 @p0 s16;
	s16 =	simm.s32 $0x0  }
.LBB2_7:
0x54: {  	s16 =	sadd.s32 $0x1, s16  }
0x55: {  	p0 =	sne.s32 s16, $0x21  }
.Ltmp5:
0x56: {  	_ = 	snop;
	(pc) =	sbr.rel @!p0 .LBB2_8-.Ltmp5, $1  }
0x57: {  	_ =	sdelay $0x3  }
.LBB2_3:
0x58: {  	s17 =	sshll.u32 s16, $0x6;
	s18 =	sadd.s32 s5, s16;
	s19 =	smov.u32 s15  }
0x59: {  	s17 =	sshrl.u32 s17, $0x2;
	p0 =	slt.s32 s14, s18;
	p1 =	sge.s32 s13, s18  }
0x5a: {  	v2 =	vld [tilespmem:s17+$0xF100];
	s19 =	simm.s32 @!p0 $0x0;
	p0 =	sgt.s32 @!p1 s18, s14  }
0x5b: {  	p0 =	por p1, p0  }
.Ltmp6:
0x5c: {  	_ = 	snop;
	(pc) =	sbr.rel @p0 .LBB2_7-.Ltmp6, $3  }
0x5d: {  	_ =	sdelay $0x1  }
0x5e: {  	v2 =	vadd.s32 s19, v2  }
0x5f: {  	[tilespmem:s17+$0xF100] =	vst v2  }
0x60: {  	s19 =	simm.s32 $0x0  }
0x61: {  	v5 =	vld [tilespmem:s19+$0xC000]  }
0x62: {  	v4 =	vmov s18;
	v3 =	vimm.s32 $0x0;
	s18 =	simm.s32 $0x40  }
.LBB2_5:
0x63: {  	p0 =	sne.s32 s18, $0xC340  }
.Ltmp7:
0x64: {  	_ = 	snop;
	(pc) =	sbr.rel @p0 .LBB2_5-.Ltmp7, $4  }
0x65: {  	_ = 	snop  }
0x66: {  	s19 =	sshra.s32 s18, $0x2;
	s18 =	sadd.s32 $0x40, s18;
	vm0 =	vlt.s32 v5, v4  }
0x67: {  	v5 =	vld [tilespmem:s19+$0xC000];
	v6 =	vsel vm0, $0x1, v0  }
0x68: {  	v3 =	vadd.s32 v6, v3  }
0x69: {  	_ =	sdelay $0x2  }
0x6a: {  	vm0 =	vlt.s32 v5, v4  }
0x6b: {  	v4 =	vsel vm0, $0x1, v0  }
0x6c: {  	v3 =	vadd.s32 v4, v3  }
0x6d: {  	(v2sf) =	vpush v3, $0x0  }
0x6e: {  	(v2sf) =	vpush v3, $0x1  }
0x6f: {  	(v2sf) =	vpush v3, $0x2  }
0x70: {  	(v2sf) =	vpush v3, $0x3  }
0x71: {  	(v2sf) =	vpush v3, $0x4  }
0x72: {  	(v2sf) =	vpush v3, $0x5  }
0x73: {  	(v2sf) =	vpush v3, $0x6  }
0x74: {  	(v2sf) =	vpush v3, $0x7  }
0x75: {  	(v2sf) =	vpush v3, $0x8  }
0x76: {  	(v2sf) =	vpush v3, $0x9  }
0x77: {  	(v2sf) =	vpush v3, $0xA  }
0x78: {  	(v2sf) =	vpush v3, $0xB  }
0x79: {  	(v2sf) =	vpush v3, $0xC  }
0x7a: {  	(v2sf) =	vpush v3, $0xD  }
0x7b: {  	(v2sf) =	vpush v3, $0xE  }
0x7c: {  	s18 =	spop (v2sf);
	(v2sf) =	vpush v3, $0xF  }
0x7d: {  	s19 =	spop (v2sf)  }
0x7e: {  	s18 =	sadd.s32 s19, s18;
	s29 =	spop (v2sf)  }
0x7f: {  	s18 =	sadd.s32 s29, s18;
	s30 =	spop (v2sf)  }
0x80: {  	s18 =	sadd.s32 s30, s18;
	s31 =	spop (v2sf)  }
0x81: {  	s18 =	sadd.s32 s31, s18;
	s20 =	spop (v2sf)  }
0x82: {  	s18 =	sadd.s32 s20, s18;
	s21 =	spop (v2sf)  }
0x83: {  	s18 =	sadd.s32 s21, s18;
	s22 =	spop (v2sf)  }
0x84: {  	s18 =	sadd.s32 s22, s18;
	s23 =	spop (v2sf)  }
0x85: {  	s18 =	sadd.s32 s23, s18;
	s24 =	spop (v2sf)  }
0x86: {  	s18 =	sadd.s32 s24, s18;
	s25 =	spop (v2sf)  }
0x87: {  	s18 =	sadd.s32 s25, s18;
	s26 =	spop (v2sf)  }
0x88: {  	s18 =	sadd.s32 s26, s18;
	s28 =	spop (v2sf)  }
0x89: {  	s18 =	sadd.s32 s28, s18;
	s29 =	spop (v2sf)  }
.Ltmp8:
0x8a: {  	s18 =	sadd.s32 s29, s18;
	s30 =	spop (v2sf);
	(pc) =	sbr.rel .LBB2_7-.Ltmp8, $4  }
0x8b: {  	s18 =	sadd.s32 s30, s18;
	s31 =	spop (v2sf)  }
0x8c: {  	s18 =	sadd.s32 s31, s18  }
0x8d: {  	v2 =	vadd.s32 s18, v2  }
0x8e: {  	[tilespmem:s17+$0xF100] =	vst v2  }
.LBB2_9:
0x8f: {  	s12 =	simm.s32 $0x0;
	s13 =	simm.s32 $0x0  }
0x90: {  	s15 =	simm.s32 $0x0;
	s13 =	sand.u32 $0x3000, s13;
	s14 =	sand.u32 $0xC00, s12  }
0x91: {  	s15 =	sand.u32 $0x380, s15;
	s13 =	sor.u32 s14, s13  }
0x92: {  	s31 =	sand.u32 $0x70, s12;
	s13 =	sor.u32 s15, s13  }
0x93: {  	v2 =	vld [tilespmem:$0xF100];
	s14 =	sor.u32 s31, s13  }
0x94: {  	v3 =	vld [tilespmem:$0xF300];
	s13 =	simm.s32 $0x1;
	[tilespmem:s14+$0x8000] =	vst v1;
	s14 =	simm.s32 $0x80  }
.LBB2_10:
0x95: {  	s15 =	sshll.u32 s13, $0x4;
	p0 =	sne.s32 s13, $0x3FF  }
0x96: {  	s16 =	smov.u32 s13;
	s13 =	sadd.s32 $0x1, s13;
	s17 =	sand.u32 $0xC00, s14  }
.Ltmp9:
0x97: {  	s15 =	sand.u32 $0x3000, s15;
	s16 =	sshll.u32 s16, $0x2;
	(pc) =	sbr.rel @p0 .LBB2_10-.Ltmp9, $4  }
0x98: {  	s12 =	sadd.s32 $0x10, s12;
	s16 =	sand.u32 $0x380, s16;
	s15 =	sor.u32 s17, s15  }
0x99: {  	s17 =	sand.u32 $0x70, s12;
	s15 =	sor.u32 s16, s15  }
0x9a: {  	s15 =	sor.u32 s17, s15  }
0x9b: {  	s14 =	sadd.s32 $0x80, s14;
	[tilespmem:s15+$0x8000] =	vst v1  }
0x9c: {  	(v2sf) =	vpush v2, $0x0  }
0x9d: {  	(v2sf) =	vpush v3, $0x0;
	_ =	sdelay $0xd  }
0x9e: {  	s13 =	spop (v2sf)  }
0x9f: {  	s12 =	spop (v2sf)  }
0xa0: {  	s14 =	ssub.s32 s12, s13  }
0xa1: {  	s15 =	sadd.s32 $0x38, s14  }
0xa2: {  	s16 =	smulhi.u32 $0x8FB823EF, s15;
	s17 =	sshra.s32 s15, $0x1F  }
0xa3: {  	s18 =	ssub.s32 $0xFFFFFFC8, s14;
	s30 =	smul.u32 $0x8FB823EF, s17  }
0xa4: {  	s16 =	sadd.s32 s18, s16  }
0xa5: {  	s14 =	sadd.s32 s30, s16  }
0xa6: {  	s14 =	sadd.s32 s15, s14  }
0xa7: {  	s31 =	sshrl.u32 s14, $0x1F;
	s14 =	sshra.s32 s14, $0x5  }
0xa8: {  	s14 =	sadd.s32 s31, s14  }
0xa9: {  	s16 =	smul.u32 $0xFFFFFFC7, s14;
	_ =	sdelay $0x1  }
0xaa: {  	p0 =	slt.s32 s15, $0x1;
	p1 =	sne.s32 s16, s18  }
0xab: {  	p0 =	por !p0, !p1  }
0xac: {  	s15 =	simm.s32 $0x1;
	p0 =	por !p0, !p0  }
0xad: {  	s15 =	simm.s32 @!p0 $0x0  }
0xae: {  	s15 =	ssub.s32 s14, s15  }
0xaf: {  	p1 =	slt.s32 s15, $0x0  }
.Ltmp10:
0xb0: {  	_ = 	snop;
	(pc) =	sbr.rel @p1 .LBB2_22-.Ltmp10, $1  }
0xb1: {  	_ =	sdelay $0x3  }
.Ltmp11:
0xb2: {  	(pc) =	sbr.rel .LBB2_13-.Ltmp11, $4  }
0xb3: {  	s15 =	simm.s32 $0xFFFFFFFF  }
0xb4: {  	s15 =	simm.s32 @!p0 $0x0  }
0xb5: {  	s14 =	sadd.s32 s15, s14  }
0xb6: {  	s15 =	simm.s32 $0x0;
	s14 =	sadd.s32 $0x1, s14  }
.LBB2_20:
0xb7: {  	s13 =	smov.u32 s17  }
.LBB2_21:
0xb8: {  	s15 =	sadd.s32 $0x1, s15  }
0xb9: {  	p0 =	sne.s32 s15, s14  }
.Ltmp12:
0xba: {  	_ = 	snop;
	(pc) =	sbr.rel @!p0 .LBB2_22-.Ltmp12, $1  }
0xbb: {  	_ =	sdelay $0x3  }
.LBB2_13:
0xbc: {  	p0 =	sge.s32 s13, s12  }
.Ltmp13:
0xbd: {  	_ = 	snop;
	(pc) =	sbr.rel @p0 .LBB2_21-.Ltmp13, $1  }
0xbe: {  	_ =	sdelay $0x3  }
0xbf: {  	s16 =	sand.u32 $0xFFFFFFF8, s13  }
0xc0: {  	p0 =	slt.s32 s16, $0x18660  }
0xc1: {  	s16 =	simm.s32 @!p0 $0x18660  }
0xc2: {  	s21 =	simm.s32 $0x0;
	s18 =	sadd.s32 $0x40, s16;
	s17 =	sshll.u32 s16, $0x6  }
.Ltmp14:
0xc3: {  	s30 =	sshll.u32 s16, $0x7;
	s19 =	sadd.s32 s1, s17;
	(pc) =	sbr.rel .LBB2_15-.Ltmp14, $4  }
0xc4: {  	[tilespmem:s21], [sflag:$0x1] =	stream.linear.gather [hbm4b:s19+s21], $0x8000, $0x38;
	[tilespmem:$0xF380] =	vst v63  }
0xc5: {  	p0 =	slt.s32 s18, s12;
	s17 =	smov.u32 s12;
	_ =	swait.ge [sflag:s9], $0x8000  }
0xc6: {  	s31 =	sshll.u32 s16, $0x9;
	s17 =	smov.u32 @p0 s18;
	[sflag:s9] =	ssyncset.done $0x0  }
0xc7: {  	s18 =	ssub.s32 $0x0, s30;
	s19 =	ssub.s32 $0x0, s31;
	[sflag:s9] =	ssyncadd.s32 $0xFFFF8000  }
.LBB2_18:
0xc8: {  	s23 =	sshll.u32 s21, $0x9;
	s31 =	sshll.u32 s21, $0x7  }
0xc9: {  	v39 =	vld [tilespmem:s22+$0xC50];
	s23 =	sand.u32 $0x3000, s23;
	s21 =	sand.u32 $0x380, s31  }
0xca: {  	v40 =	vld [tilespmem:s22+$0xC60];
	s21 =	sor.u32 s21, s23  }
0xcb: {  	v41 =	vld [tilespmem:s21+$0x8000]  }
0xcc: {  	v42 =	vld [tilespmem:s21+$0x8010]  }
0xcd: {  	v43 =	vld [tilespmem:s21+$0x8020]  }
0xce: {  	v44 =	vld [tilespmem:s21+$0x8030]  }
0xcf: {  	v45 =	vld [tilespmem:s21+$0x8040]  }
0xd0: {  	v59 =	vld [tilespmem:s21+$0x8050];
	v33 =	vadd.f32 v41, v33  }
0xd1: {  	v60 =	vld [tilespmem:s21+$0x8060];
	v32 =	vadd.f32 v42, v32  }
0xd2: {  	v61 =	vld [tilespmem:s21+$0x8070];
	v31 =	vadd.f32 v43, v31;
	[tilespmem:s21+$0x8000] =	vst v33  }
0xd3: {  	v62 =	vld [tilespmem:s21+$0x8400];
	v30 =	vadd.f32 v44, v30;
	[tilespmem:s21+$0x8010] =	vst v32  }
0xd4: {  	v63 =	vld [tilespmem:s21+$0x8410];
	v29 =	vadd.f32 v45, v29;
	[tilespmem:s21+$0x8020] =	vst v31  }
0xd5: {  	v46 =	vld [tilespmem:s21+$0x8470];
	v28 =	vadd.f32 v59, v28;
	[tilespmem:s21+$0x8030] =	vst v30  }
0xd6: {  	v47 =	vld [tilespmem:s21+$0x8800];
	v27 =	vadd.f32 v60, v27;
	[tilespmem:s21+$0x8040] =	vst v29  }
0xd7: {  	v48 =	vld [tilespmem:s21+$0x8810];
	v26 =	vadd.f32 v61, v26;
	[tilespmem:s21+$0x8050] =	vst v28  }
0xd8: {  	v49 =	vld [tilespmem:s21+$0x8820];
	v25 =	vadd.f32 v62, v25;
	[tilespmem:s21+$0x8060] =	vst v27  }
0xd9: {  	v50 =	vld [tilespmem:s21+$0x8830];
	v24 =	vadd.f32 v63, v24;
	[tilespmem:s21+$0x8070] =	vst v26  }
0xda: {  	v51 =	vld [tilespmem:s21+$0x8840];
	v18 =	vadd.f32 v46, v18;
	[tilespmem:s21+$0x8400] =	vst v25  }
0xdb: {  	v52 =	vld [tilespmem:s21+$0x8850];
	v17 =	vadd.f32 v47, v17;
	[tilespmem:s21+$0x8410] =	vst v24  }
0xdc: {  	v53 =	vld [tilespmem:s21+$0x8860];
	v16 =	vadd.f32 v48, v16;
	[tilespmem:s21+$0x8470] =	vst v18  }
0xdd: {  	v54 =	vld [tilespmem:s21+$0x8870];
	v15 =	vadd.f32 v49, v15;
	[tilespmem:s21+$0x8800] =	vst v17  }
0xde: {  	v55 =	vld [tilespmem:s21+$0x8C00];
	v13 =	vadd.f32 v50, v13;
	[tilespmem:s21+$0x8810] =	vst v16  }
0xdf: {  	v56 =	vld [tilespmem:s21+$0x8C10];
	v14 =	vadd.f32 v51, v14;
	[tilespmem:s21+$0x8820] =	vst v15  }
0xe0: {  	v58 =	vld [tilespmem:s21+$0x8C30];
	v11 =	vadd.f32 v52, v11;
	[tilespmem:s21+$0x8830] =	vst v13  }
0xe1: {  	v3 =	vadd.f32 v38, v3;
	v57 =	vld [tilespmem:s21+$0x8C20];
	v10 =	vadd.f32 v53, v10;
	[tilespmem:s21+$0x8840] =	vst v14  }
0xe2: {  	v12 =	vadd.f32 v37, v12;
	v41 =	vld [tilespmem:s21+$0x8420];
	v8 =	vadd.f32 v54, v8;
	[tilespmem:s21+$0x8850] =	vst v11  }
0xe3: {  	v6 =	vadd.f32 v35, v6;
	v42 =	vld [tilespmem:s21+$0x8430];
	v3 =	vadd.f32 v55, v3;
	[tilespmem:s21+$0x8860] =	vst v10  }
0xe4: {  	v9 =	vadd.f32 v34, v9;
	v43 =	vld [tilespmem:s21+$0x8440];
	v61 =	vadd.f32 v56, v12;
	[tilespmem:s21+$0x8870] =	vst v8  }
0xe5: {  	v44 =	vld [tilespmem:s21+$0x8450];
	v6 =	vadd.f32 v58, v6;
	[tilespmem:s21+$0x8C00] =	vst v3  }
0xe6: {  	v45 =	vld [tilespmem:s21+$0x8460];
	v3 =	vadd.f32 v57, v9;
	[tilespmem:s21+$0x8C10] =	vst v61  }
0xe7: {  	v59 =	vld [tilespmem:s21+$0x8C40];
	[tilespmem:s21+$0x8C30] =	vst v6;
	v23 =	vadd.f32 v41, v23  }
0xe8: {  	v60 =	vld [tilespmem:s21+$0x8C50];
	[tilespmem:s21+$0x8C20] =	vst v3;
	v22 =	vadd.f32 v42, v22  }
0xe9: {  	v63 =	vld [tilespmem:s21+$0x8C70];
	v21 =	vadd.f32 v43, v21;
	[tilespmem:s21+$0x8420] =	vst v23  }
0xea: {  	v7 =	vadd.f32 v36, v7;
	v62 =	vld [tilespmem:s21+$0x8C60];
	v20 =	vadd.f32 v44, v20;
	[tilespmem:s21+$0x8430] =	vst v22  }
0xeb: {  	v5 =	vadd.f32 v39, v5;
	v19 =	vadd.f32 v45, v19;
	[tilespmem:s21+$0x8440] =	vst v21  }
0xec: {  	v3 =	vadd.f32 v59, v7;
	[tilespmem:s21+$0x8450] =	vst v20  }
0xed: {  	v4 =	vadd.f32 v40, v4;
	v5 =	vadd.f32 v60, v5;
	[tilespmem:s21+$0x8460] =	vst v19  }
0xee: {  	v2 =	vadd.f32 v63, v2;
	[tilespmem:s21+$0x8C40] =	vst v3  }
0xef: {  	v3 =	vadd.f32 v62, v4;
	[tilespmem:s21+$0x8C50] =	vst v5  }
0xf0: {  	[tilespmem:s21+$0x8C70] =	vst v2  }
0xf1: {  	[tilespmem:s21+$0x8C60] =	vst v3  }
.LBB2_19:
0xf2: {  	p0 =	sne.s32 s20, $0x20  }
.Ltmp15:
0xf3: {  	_ = 	snop;
	(pc) =	sbr.rel @!p0 .LBB2_20-.Ltmp15, $2  }
0xf4: {  	_ =	sdelay $0x2  }
0xf5: {  	s21 =	smov.u32 s20  }
.LBB2_15:
0xf6: {  	s22 =	sshll.u32 s21, $0x4;
	s20 =	sadd.s32 $0x1, s21  }
0xf7: {  	s22 =	sand.u32 $0x3FFFFFF0, s22;
	s23 =	sshll.u32 s20, $0x4  }
0xf8: {  	v2 =	vld [tilespmem:s22+$0xF100];
	s31 =	sand.u32 $0x3FFFFFF0, s23  }
0xf9: {  	v3 =	vld [tilespmem:s31+$0xF100];
	_ =	sdelay $0x3  }
0xfa: {  	(v2sf) =	vpush v2, $0x0  }
0xfb: {  	(v2sf) =	vpush v3, $0x0;
	_ =	sdelay $0xd  }
0xfc: {  	s22 =	spop (v2sf)  }
0xfd: {  	s26 =	smov.u32 s17;
	s24 =	spop (v2sf)  }
0xfe: {  	s23 =	smov.u32 s13;
	p0 =	sgt.s32 s22, s13;
	p1 =	slt.s32 s24, s17  }
0xff: {  	s23 =	smov.u32 @p0 s22;
	s26 =	smov.u32 @p1 s24  }
0x100: {  	s22 =	ssub.s32 s23, s16;
	s24 =	ssub.s32 s26, s16  }
0x101: {  	p0 =	sle.s32 s24, s22  }
.Ltmp16:
0x102: {  	_ = 	snop;
	(pc) =	sbr.rel @p0 .LBB2_19-.Ltmp16, $1  }
0x103: {  	_ =	sdelay $0x3  }
0x104: {  	s22 =	sshll.u32 s23, $0x7;
	s25 =	sshll.u32 s23, $0x9  }
0x105: {  	s24 =	sadd.s32 s22, s18;
	s25 =	sadd.s32 s25, s19  }
0x106: {  	s30 =	sand.u32 $0xFFFFF000, s25;
	s28 =	sand.u32 $0x380, s24  }
0x107: {  	s22 =	sor.u32 s28, s30  }
0x108: {  	v2 =	vld [tilespmem:s22+$0xC70]  }
0x109: {  	v4 =	vld [tilespmem:s22+$0x0]  }
0x10a: {  	v5 =	vld [tilespmem:s22+$0x10]  }
0x10b: {  	v6 =	vld [tilespmem:s22+$0x20]  }
0x10c: {  	v7 =	vld [tilespmem:s22+$0x30]  }
0x10d: {  	v8 =	vld [tilespmem:s22+$0x40]  }
0x10e: {  	v9 =	vld [tilespmem:s22+$0x50]  }
0x10f: {  	v10 =	vld [tilespmem:s22+$0x60]  }
0x110: {  	v11 =	vld [tilespmem:s22+$0x70]  }
0x111: {  	v12 =	vld [tilespmem:s22+$0x400]  }
0x112: {  	v13 =	vld [tilespmem:s22+$0x410]  }
0x113: {  	v14 =	vld [tilespmem:s22+$0x420]  }
0x114: {  	v15 =	vld [tilespmem:s22+$0x430]  }
0x115: {  	v16 =	vld [tilespmem:s22+$0x440]  }
0x116: {  	v17 =	vld [tilespmem:s22+$0x450]  }
0x117: {  	v18 =	vld [tilespmem:s22+$0x460]  }
0x118: {  	v3 =	vimm.f32 $0.0e+00;
	v34 =	vld [tilespmem:s22+$0x470]  }
0x119: {  	v35 =	vld [tilespmem:s22+$0x800];
	v2 =	vadd.f32 v2, v3  }
0x11a: {  	v33 =	vadd.f32 v4, v3;
	v32 =	vadd.f32 v5, v3;
	v4 =	vld [tilespmem:s22+$0x810]  }
0x11b: {  	v31 =	vadd.f32 v6, v3;
	v30 =	vadd.f32 v7, v3;
	v5 =	vld [tilespmem:s22+$0x820]  }
0x11c: {  	v29 =	vadd.f32 v8, v3;
	v28 =	vadd.f32 v9, v3;
	v6 =	vld [tilespmem:s22+$0x830]  }
0x11d: {  	v27 =	vadd.f32 v10, v3;
	v26 =	vadd.f32 v11, v3;
	v7 =	vld [tilespmem:s22+$0x840]  }
0x11e: {  	v25 =	vadd.f32 v12, v3;
	v24 =	vadd.f32 v13, v3;
	v8 =	vld [tilespmem:s22+$0x850]  }
0x11f: {  	v23 =	vadd.f32 v14, v3;
	v22 =	vadd.f32 v15, v3;
	v9 =	vld [tilespmem:s22+$0x860]  }
0x120: {  	s31 =	ssub.s32 s23, s26;
	v21 =	vadd.f32 v16, v3;
	v20 =	vadd.f32 v17, v3;
	v12 =	vld [tilespmem:s22+$0x870]  }
0x121: {  	s23 =	sadd.s32 $0x1, s31;
	v19 =	vadd.f32 v18, v3;
	v18 =	vadd.f32 v34, v3  }
0x122: {  	p0 =	seq.s32 s23, $0x0;
	v17 =	vadd.f32 v35, v3;
	v16 =	vadd.f32 v4, v3  }
.Ltmp17:
0x123: {  	v38 =	vld [tilespmem:s22+$0xC00];
	v15 =	vadd.f32 v5, v3;
	v13 =	vadd.f32 v6, v3;
	(pc) =	sbr.rel @p0 .LBB2_18-.Ltmp17, $4  }
0x124: {  	v37 =	vld [tilespmem:s22+$0xC10];
	v14 =	vadd.f32 v7, v3;
	v11 =	vadd.f32 v8, v3  }
0x125: {  	v34 =	vld [tilespmem:s22+$0xC20];
	v10 =	vadd.f32 v9, v3;
	v8 =	vadd.f32 v12, v3  }
0x126: {  	v35 =	vld [tilespmem:s22+$0xC30];
	v12 =	vimm.f32 $0.0e+00;
	v9 =	vimm.f32 $0.0e+00;
	v6 =	vimm.f32 $0.0e+00  }
0x127: {  	s24 =	sadd.s32 $0x80, s24;
	s25 =	sadd.s32 $0x200, s25;
	v36 =	vld [tilespmem:s22+$0xC40];
	v7 =	vimm.f32 $0.0e+00;
	v5 =	vimm.f32 $0.0e+00;
	v4 =	vimm.f32 $0.0e+00  }
.LBB2_17:
0x128: {  	s26 =	sand.u32 $0xFFFFF000, s25;
	s28 =	sand.u32 $0x380, s24;
	s23 =	sadd.s32 $0x1, s23;
	v3 =	vadd.f32 v38, v3;
	v38 =	vld [tilespmem:s22+$0xC50]  }
0x129: {  	v12 =	vadd.f32 v37, v12;
	p0 =	seq.s32 s23, $0x0;
	v37 =	vld [tilespmem:s22+$0xC60];
	s22 =	sor.u32 s28, s26  }
0x12a: {  	v9 =	vadd.f32 v34, v9;
	v39 =	vld [tilespmem:s22+$0xC70]  }
0x12b: {  	v6 =	vadd.f32 v35, v6;
	v34 =	vld [tilespmem:s22+$0x0]  }
0x12c: {  	v7 =	vadd.f32 v36, v7;
	v35 =	vld [tilespmem:s22+$0x10]  }
0x12d: {  	v36 =	vld [tilespmem:s22+$0x20];
	v5 =	vadd.f32 v38, v5  }
0x12e: {  	v38 =	vld [tilespmem:s22+$0x30];
	v4 =	vadd.f32 v37, v4  }
0x12f: {  	v37 =	vld [tilespmem:s22+$0x40];
	v2 =	vadd.f32 v39, v2  }
0x130: {  	v33 =	vadd.f32 v34, v33;
	v34 =	vld [tilespmem:s22+$0x50]  }
0x131: {  	v32 =	vadd.f32 v35, v32;
	v35 =	vld [tilespmem:s22+$0x60]  }
0x132: {  	v31 =	vadd.f32 v36, v31;
	v36 =	vld [tilespmem:s22+$0x70]  }
0x133: {  	v30 =	vadd.f32 v38, v30;
	v38 =	vld [tilespmem:s22+$0x400]  }
0x134: {  	v29 =	vadd.f32 v37, v29;
	v37 =	vld [tilespmem:s22+$0x410]  }
0x135: {  	v28 =	vadd.f32 v34, v28;
	v34 =	vld [tilespmem:s22+$0x420]  }
0x136: {  	v27 =	vadd.f32 v35, v27;
	v35 =	vld [tilespmem:s22+$0x430]  }
0x137: {  	v26 =	vadd.f32 v36, v26;
	v36 =	vld [tilespmem:s22+$0x440]  }
0x138: {  	v25 =	vadd.f32 v38, v25;
	v38 =	vld [tilespmem:s22+$0x450]  }
0x139: {  	v24 =	vadd.f32 v37, v24;
	v37 =	vld [tilespmem:s22+$0x460]  }
0x13a: {  	v23 =	vadd.f32 v34, v23;
	v34 =	vld [tilespmem:s22+$0x470]  }
0x13b: {  	v22 =	vadd.f32 v35, v22;
	v35 =	vld [tilespmem:s22+$0x800]  }
0x13c: {  	v21 =	vadd.f32 v36, v21;
	v36 =	vld [tilespmem:s22+$0x810]  }
0x13d: {  	v20 =	vadd.f32 v38, v20;
	v38 =	vld [tilespmem:s22+$0x820]  }
0x13e: {  	v19 =	vadd.f32 v37, v19;
	v37 =	vld [tilespmem:s22+$0x830]  }
0x13f: {  	v18 =	vadd.f32 v34, v18;
	v34 =	vld [tilespmem:s22+$0x840]  }
0x140: {  	v17 =	vadd.f32 v35, v17;
	v35 =	vld [tilespmem:s22+$0x850]  }
0x141: {  	v16 =	vadd.f32 v36, v16;
	v36 =	vld [tilespmem:s22+$0x860]  }
0x142: {  	v15 =	vadd.f32 v38, v15;
	v39 =	vld [tilespmem:s22+$0x870]  }
.Ltmp18:
0x143: {  	v13 =	vadd.f32 v37, v13;
	v38 =	vld [tilespmem:s22+$0xC00];
	(pc) =	sbr.rel @!p0 .LBB2_17-.Ltmp18, $4  }
0x144: {  	v14 =	vadd.f32 v34, v14;
	v37 =	vld [tilespmem:s22+$0xC10]  }
0x145: {  	v11 =	vadd.f32 v35, v11;
	v34 =	vld [tilespmem:s22+$0xC20]  }
0x146: {  	v10 =	vadd.f32 v36, v10;
	v35 =	vld [tilespmem:s22+$0xC30]  }
0x147: {  	s24 =	sadd.s32 $0x80, s24;
	s25 =	sadd.s32 $0x200, s25;
	v8 =	vadd.f32 v39, v8;
	v36 =	vld [tilespmem:s22+$0xC40]  }
.Ltmp19:
0x148: {  	_ = 	snop;
	(pc) =	sbr.rel .LBB2_18-.Ltmp19, $1  }
0x149: {  	_ =	sdelay $0x3  }
.LBB2_23:
0x14a: {  	_ =	sfence.sel $0x180000  }
0x14b: {  	[bflag:$0x0] =	sbarrier.arrive $0xFFFF  }
0x14c: {  	p0 =	sne.s32 s3, $0x0;
	_ =	strace $0x90000047  }
0x14d: {  	s0 =	sadd.s32 @!p0 $0x100000, s0;
	[bflag:$0x2] =	sbarrier.arrive $0xFFFF  }
0x14e: {  	[sflag:s0] =	ssyncadd.tile.s32 @!p0 $0x1;
	_ =	shalt  }
.Lfunc_end2:
_tile_overlayer_lowered:
.L_overlay_start_2:
0x14f: {  	(tag) =	ssettag $0x2  }
0x150: {  	s0 =	rddreg [dreg:$0x0];
	s2 =	stileid.u32  }
0x151: {  	s1 =	rddreg [dreg:$0x1];
	p0 =	sne.s32 s2, $0x0  }
0x152: {  	s3 =	rddreg [dreg:$0x2];
	[bflag:$0x3] =	sbarrier.arrive $0xFFFF;
	s2 =	simm.s32 @!p0 $0x1C01  }
0x153: {  	[timem:s3], [sflag:s2] =	dma.local @!p0 [hbm:s0], s1  }
0x154: {  	s0 =	simm.s32 @!p0 $0x1  }
0x155: {  	_ =	swait.ge @!p0 [sflag:s0], s1  }
0x156: {  	s1 =	ssub.s32 @!p0 $0x0, s1;
	[sflag:s0] =	ssyncset.done @!p0 $0x0  }
0x157: {  	[sflag:s0] =	ssyncadd.s32 @!p0 s1  }
0x158: {  	[bflag:$0x3] =	sbarrier.arrive $0xFFFF  }
0x159: {  	_ =	shalt  }

</sc_bundles>
